<compile_context>
chip_gen: v7x
topology: tpu7x:2x2x1
jax: 0.10.2.dev20260603
libtpu: 0.0.44.dev20260713+nightly
codegen_flags: <defaults>
</compile_context>

<pallas_src>
import functools

import jax
import jax.numpy as jnp
from jax import lax
from jax.experimental import pallas as pl
from jax.experimental.pallas import tpu as pltpu
from jax.experimental.pallas import tpu_sc as plsc

_LANES = 16
_NBUF = 4
_OBUF = 2


def _sc_info():
    try:
        info = plsc.get_sparse_core_info()
        return info.num_cores, info.num_subcores
    except Exception:
        return 2, 16


@functools.cache
def _build(R, V, S, D):
    NC, NS = _sc_info()
    NW = NC * NS
    rows_per_w = R // NW
    assert rows_per_w % S == 0
    nchunks = rows_per_w // S
    assert nchunks % _NBUF == 0
    scale = float(D) ** 0.5

    mesh = plsc.VectorSubcoreMesh(core_axis_name="c", subcore_axis_name="s")

    def body(idx_hbm, tok_hbm, pos_hbm, out_hbm, idx_all,
             in0, in1, in2, in3, o0, o1, pos_all,
             g0, g1, g2, g3, s0, s1):
        cid = lax.axis_index("c")
        sid = lax.axis_index("s")
        wid = sid * NC + cid
        base = wid * rows_per_w

        rows_in = (in0, in1, in2, in3)
        rows_out = (o0, o1)
        gsem = (g0, g1, g2, g3)
        ssem = (s0, s1)

        pltpu.sync_copy(idx_hbm.at[wid], idx_all)
        pltpu.sync_copy(pos_hbm, pos_all)

        def start_gather(c, b):
            pltpu.async_copy(
                tok_hbm.at[idx_all.at[pl.ds(c * S, S)]], rows_in[b], gsem[b])

        for b in range(_NBUF):
            start_gather(b, b)

        def group(c4, carry):
            for b in range(_NBUF):
                o = b % _OBUF
                c = c4 * _NBUF + b
                row0 = base + c * S
                pltpu.make_async_copy(
                    tok_hbm.at[idx_all.at[pl.ds(c * S, S)]], rows_in[b],
                    gsem[b]).wait()

                @pl.when(c >= _OBUF)
                def _():
                    prow0 = row0 - _OBUF * S
                    pltpu.make_async_copy(
                        rows_out[o],
                        out_hbm.at[pl.ds(prow0, S), pl.ds(0, D)],
                        ssem[o]).wait()

                src = rows_in[b]
                dst = rows_out[o]

                def row_body(r2, carry2):
                    r = r2 * 2
                    for rr in (r, r + 1):
                        for j in range(D // _LANES):
                            sl = pl.ds(j * _LANES, _LANES)
                            dst[rr, sl] = src[rr, sl] * scale + pos_all[rr, sl]
                    return carry2

                lax.fori_loop(0, S // 2, row_body, 0)

                pltpu.async_copy(
                    dst, out_hbm.at[pl.ds(row0, S), pl.ds(0, D)], ssem[o])

                nxt = c + _NBUF

                @pl.when(nxt < nchunks)
                def _():
                    start_gather(nxt, b)
            return carry

        lax.fori_loop(0, nchunks // _NBUF, group, 0)

        for j in range(_OBUF):
            c = nchunks - _OBUF + j
            row0 = base + c * S
            pltpu.make_async_copy(
                rows_out[c % _OBUF],
                out_hbm.at[pl.ds(row0, S), pl.ds(0, D)],
                ssem[c % _OBUF]).wait()

    return pl.kernel(
        body,
        out_type=jax.ShapeDtypeStruct((R, 2 * D), jnp.float32),
        mesh=mesh,
        compiler_params=pltpu.CompilerParams(use_tc_tiling_on_sc=False),
        scratch_types=[
            pltpu.VMEM((rows_per_w,), jnp.int32),
            pltpu.VMEM((S, D), jnp.float32),
            pltpu.VMEM((S, D), jnp.float32),
            pltpu.VMEM((S, D), jnp.float32),
            pltpu.VMEM((S, D), jnp.float32),
            pltpu.VMEM((S, D), jnp.float32),
            pltpu.VMEM((S, D), jnp.float32),
            pltpu.VMEM((S, D), jnp.float32),
            pltpu.SemaphoreType.DMA,
            pltpu.SemaphoreType.DMA,
            pltpu.SemaphoreType.DMA,
            pltpu.SemaphoreType.DMA,
            pltpu.SemaphoreType.DMA,
            pltpu.SemaphoreType.DMA,
        ],
    )


def kernel(inputs, token_table, pos_table):
    B, S = inputs.shape
    V, D = token_table.shape
    R = B * S
    NC, NS = _sc_info()
    NW = NC * NS
    idx = inputs.reshape(NW, R // NW).astype(jnp.int32)
    out = _build(R, V, S, D)(idx, token_table, pos_table)
    return out[:, :D].reshape(B, S, D)

# --- scband reference (transcript-rebuilt; emitter-appended) ---
"""Pipeline reference for scband-positional-embedding-90649579749537 (READ-ONLY COPY).

The authoritative reference and input builder live on the scoring server;
editing this copy changes nothing except your own understanding.
"""

import jax, jax.numpy as jnp
import numpy as np

MAX_SEQ_LEN = 200
VOCAB_SIZE = 1000000
D_MODEL = 64
BATCH = 4096

def setup_inputs(seed: int = 0) -> dict:
    key = jax.random.key(seed)
    k1, k2, k3 = jax.random.split(key, 3)
    inputs = jax.random.randint(k1, (BATCH, MAX_SEQ_LEN), 0, VOCAB_SIZE, dtype=jnp.int64 if jax.config.jax_enable_x64 else jnp.int32)
    token_table = jax.random.normal(k2, (VOCAB_SIZE, D_MODEL), dtype=jnp.float32) * 0.02
    pos_table = jax.random.normal(k3, (MAX_SEQ_LEN, D_MODEL), dtype=jnp.float32) * 0.02
    return {"inputs": inputs, "token_table": token_table, "pos_table": pos_table}

def reference(inputs, token_table, pos_table):
    seq_len = inputs.shape[-1]
    positions = jnp.arange(0, seq_len, dtype=jnp.int32)
    embedded_positions = jnp.take(pos_table, positions, axis=0)[jnp.newaxis, ...]
    embed_scale = jnp.sqrt(jnp.asarray(D_MODEL, dtype=jnp.float32))
    embedded_tokens = jnp.take(token_table, inputs, axis=0) * embed_scale
    return embedded_tokens + embedded_positions

if __name__ == "__main__":
    import jax
    _d = setup_inputs()
    print(jax.jit(kernel)(*tuple(_d.values())))

</pallas_src>

<mosaic_0001>
#map = affine_map<(d0, d1) -> (0, 0)>
module attributes {stable_mosaic.version = 14 : i64} {
  func.func @body(%arg0: i32, %arg1: i32, %arg2: memref<32x25600xi32, #tpu.memory_space<hbm>>, %arg3: memref<1000000x64xf32, #tpu.memory_space<hbm>>, %arg4: memref<200x64xf32, #tpu.memory_space<hbm>>, %arg5: memref<819200x128xf32, #tpu.memory_space<hbm>>, %arg6: memref<25600xi32, #tpu.memory_space<vmem>>, %arg7: memref<200x64xf32, #tpu.memory_space<vmem>>, %arg8: memref<200x64xf32, #tpu.memory_space<vmem>>, %arg9: memref<200x64xf32, #tpu.memory_space<vmem>>, %arg10: memref<200x64xf32, #tpu.memory_space<vmem>>, %arg11: memref<200x64xf32, #tpu.memory_space<vmem>>, %arg12: memref<200x64xf32, #tpu.memory_space<vmem>>, %arg13: memref<200x64xf32, #tpu.memory_space<vmem>>, %arg14: memref<!tpu.dma_semaphore, #tpu.memory_space<semaphore_mem>>, %arg15: memref<!tpu.dma_semaphore, #tpu.memory_space<semaphore_mem>>, %arg16: memref<!tpu.dma_semaphore, #tpu.memory_space<semaphore_mem>>, %arg17: memref<!tpu.dma_semaphore, #tpu.memory_space<semaphore_mem>>, %arg18: memref<!tpu.dma_semaphore, #tpu.memory_space<semaphore_mem>>, %arg19: memref<!tpu.dma_semaphore, #tpu.memory_space<semaphore_mem>>) attributes {dimension_semantics = [#tpu.dimension_semantics<core_parallel>, #tpu.dimension_semantics<subcore_parallel>], iteration_bounds = array<i64: 2, 16>, scalar_prefetch = 0 : i64, scratch_operands = 14 : i64, tpu.core_type = #tpu.core_type<sc_vector_subcore>, window_params = [{transform_indices = #map}, {transform_indices = #map}, {transform_indices = #map}, {transform_indices = #map}]} {
    %mul3A = arith.constant 2 : i32
    %mul3A_0 = arith.muli %arg1, %mul3A : i32
    %add3A = arith.addi %mul3A_0, %arg0 : i32
    %mul3A_1 = arith.constant 25600 : i32
    %mul3A_2 = arith.muli %add3A, %mul3A_1 : i32
    "tpu.region"() ({
      %run_scoped3A = tpu.sem_alloc : memref<!tpu.dma_semaphore, #tpu.memory_space<semaphore_mem>>
      %dma_start3A_38 = arith.constant 0 : i32
      %dma_start3A_39 = tpu.memref_slice %arg2[%add3A, %dma_start3A_38] : memref<32x25600xi32, #tpu.memory_space<hbm>> -> memref<1x25600xi32, #tpu.memory_space<hbm>>
      %dma_start3A_40 = tpu.memref_squeeze %dma_start3A_39 : memref<1x25600xi32, #tpu.memory_space<hbm>> -> memref<25600xi32, #tpu.memory_space<hbm>>
      %dma_start3A_41 = arith.constant 0 : i32
      %dma_start3A_42 = tpu.memref_slice %arg2[%add3A, %dma_start3A_41] : memref<32x25600xi32, #tpu.memory_space<hbm>> -> memref<1x25600xi32, #tpu.memory_space<hbm>>
      %dma_start3A_43 = tpu.memref_squeeze %dma_start3A_42 : memref<1x25600xi32, #tpu.memory_space<hbm>> -> memref<25600xi32, #tpu.memory_space<hbm>>
      tpu.enqueue_dma source(%dma_start3A_43 : memref<25600xi32, #tpu.memory_space<hbm>>) target(%arg6 : memref<25600xi32, #tpu.memory_space<vmem>>) target_semaphore(%run_scoped3A : memref<!tpu.dma_semaphore, #tpu.memory_space<semaphore_mem>>)
      %dma_wait3A_44 = arith.constant 0 : i32
      %dma_wait3A_45 = tpu.memref_slice %arg2[%add3A, %dma_wait3A_44] : memref<32x25600xi32, #tpu.memory_space<hbm>> -> memref<1x25600xi32, #tpu.memory_space<hbm>>
      %dma_wait3A_46 = tpu.memref_squeeze %dma_wait3A_45 : memref<1x25600xi32, #tpu.memory_space<hbm>> -> memref<25600xi32, #tpu.memory_space<hbm>>
      %dma_wait3A_47 = arith.constant 0 : i32
      %dma_wait3A_48 = tpu.memref_slice %arg2[%add3A, %dma_wait3A_47] : memref<32x25600xi32, #tpu.memory_space<hbm>> -> memref<1x25600xi32, #tpu.memory_space<hbm>>
      %dma_wait3A_49 = tpu.memref_squeeze %dma_wait3A_48 : memref<1x25600xi32, #tpu.memory_space<hbm>> -> memref<25600xi32, #tpu.memory_space<hbm>>
      tpu.wait_dma2 semaphore(%run_scoped3A : memref<!tpu.dma_semaphore, #tpu.memory_space<semaphore_mem>>) src(%dma_wait3A_49 : memref<25600xi32, #tpu.memory_space<hbm>>) dst(%arg6 : memref<25600xi32, #tpu.memory_space<vmem>>)
      tpu.yield
    }) : () -> ()
    "tpu.region"() ({
      %run_scoped3A = tpu.sem_alloc : memref<!tpu.dma_semaphore, #tpu.memory_space<semaphore_mem>>
      tpu.enqueue_dma source(%arg4 : memref<200x64xf32, #tpu.memory_space<hbm>>) target(%arg13 : memref<200x64xf32, #tpu.memory_space<vmem>>) target_semaphore(%run_scoped3A : memref<!tpu.dma_semaphore, #tpu.memory_space<semaphore_mem>>)
      tpu.wait_dma2 semaphore(%run_scoped3A : memref<!tpu.dma_semaphore, #tpu.memory_space<semaphore_mem>>) src(%arg4 : memref<200x64xf32, #tpu.memory_space<hbm>>) dst(%arg13 : memref<200x64xf32, #tpu.memory_space<vmem>>)
      tpu.yield
    }) : () -> ()
    %dma_start3A = arith.constant 0 : i32
    %dma_start3A_3 = tpu.memref_slice %arg6[%dma_start3A] : memref<25600xi32, #tpu.memory_space<vmem>> -> memref<200xi32, #tpu.memory_space<vmem>>
    %dma_start3A_4 = arith.constant 0 : i32
    %dma_start3A_5 = arith.constant 0 : i32
    %dma_start3A_6 = tpu.memref_slice %arg3[%dma_start3A_4, %dma_start3A_5] : memref<1000000x64xf32, #tpu.memory_space<hbm>> -> memref<1000000x64xf32, #tpu.memory_space<hbm>>
    tpu.enqueue_indirect_dma source(%dma_start3A_6 : memref<1000000x64xf32, #tpu.memory_space<hbm>>) target(%arg7 : memref<200x64xf32, #tpu.memory_space<vmem>>) offsets(%dma_start3A_3 : memref<200xi32, #tpu.memory_space<vmem>>) semaphore(%arg14 : memref<!tpu.dma_semaphore, #tpu.memory_space<semaphore_mem>>)
    %dma_start3A_7 = arith.constant 200 : i32
    %dma_start3A_8 = tpu.memref_slice %arg6[%dma_start3A_7] : memref<25600xi32, #tpu.memory_space<vmem>> -> memref<200xi32, #tpu.memory_space<vmem>>
    %dma_start3A_9 = arith.constant 0 : i32
    %dma_start3A_10 = arith.constant 0 : i32
    %dma_start3A_11 = tpu.memref_slice %arg3[%dma_start3A_9, %dma_start3A_10] : memref<1000000x64xf32, #tpu.memory_space<hbm>> -> memref<1000000x64xf32, #tpu.memory_space<hbm>>
    tpu.enqueue_indirect_dma source(%dma_start3A_11 : memref<1000000x64xf32, #tpu.memory_space<hbm>>) target(%arg8 : memref<200x64xf32, #tpu.memory_space<vmem>>) offsets(%dma_start3A_8 : memref<200xi32, #tpu.memory_space<vmem>>) semaphore(%arg15 : memref<!tpu.dma_semaphore, #tpu.memory_space<semaphore_mem>>)
    %dma_start3A_12 = arith.constant 400 : i32
    %dma_start3A_13 = tpu.memref_slice %arg6[%dma_start3A_12] : memref<25600xi32, #tpu.memory_space<vmem>> -> memref<200xi32, #tpu.memory_space<vmem>>
    %dma_start3A_14 = arith.constant 0 : i32
    %dma_start3A_15 = arith.constant 0 : i32
    %dma_start3A_16 = tpu.memref_slice %arg3[%dma_start3A_14, %dma_start3A_15] : memref<1000000x64xf32, #tpu.memory_space<hbm>> -> memref<1000000x64xf32, #tpu.memory_space<hbm>>
    tpu.enqueue_indirect_dma source(%dma_start3A_16 : memref<1000000x64xf32, #tpu.memory_space<hbm>>) target(%arg9 : memref<200x64xf32, #tpu.memory_space<vmem>>) offsets(%dma_start3A_13 : memref<200xi32, #tpu.memory_space<vmem>>) semaphore(%arg16 : memref<!tpu.dma_semaphore, #tpu.memory_space<semaphore_mem>>)
    %dma_start3A_17 = arith.constant 600 : i32
    %dma_start3A_18 = tpu.memref_slice %arg6[%dma_start3A_17] : memref<25600xi32, #tpu.memory_space<vmem>> -> memref<200xi32, #tpu.memory_space<vmem>>
    %dma_start3A_19 = arith.constant 0 : i32
    %dma_start3A_20 = arith.constant 0 : i32
    %dma_start3A_21 = tpu.memref_slice %arg3[%dma_start3A_19, %dma_start3A_20] : memref<1000000x64xf32, #tpu.memory_space<hbm>> -> memref<1000000x64xf32, #tpu.memory_space<hbm>>
    tpu.enqueue_indirect_dma source(%dma_start3A_21 : memref<1000000x64xf32, #tpu.memory_space<hbm>>) target(%arg10 : memref<200x64xf32, #tpu.memory_space<vmem>>) offsets(%dma_start3A_18 : memref<200xi32, #tpu.memory_space<vmem>>) semaphore(%arg17 : memref<!tpu.dma_semaphore, #tpu.memory_space<semaphore_mem>>)
    %scan3A = arith.constant 0 : i32
    %scan3A_22 = arith.constant 0 : i32
    %scan3A_23 = arith.constant 32 : i32
    %scan3A_24 = arith.addi %scan3A_22, %scan3A_23 : i32
    %scan3A_25 = arith.constant 1 : i32
    scf.for %scan3A_38 = %scan3A_22 to %scan3A_24 step %scan3A_25  : i32 {
      %mul3A_39 = arith.constant 4 : i32
      %mul3A_40 = arith.muli %scan3A_38, %mul3A_39 : i32
      %add3A_41 = arith.constant 0 : i32
      %add3A_42 = arith.addi %mul3A_40, %add3A_41 : i32
      %mul3A_43 = arith.constant 200 : i32
      %mul3A_44 = arith.muli %add3A_42, %mul3A_43 : i32
      %add3A_45 = arith.addi %mul3A_2, %mul3A_44 : i32
      %mul3A_46 = arith.constant 200 : i32
      %mul3A_47 = arith.muli %add3A_42, %mul3A_46 : i32
      %dma_wait3A_48 = tpu.memref_slice %arg6[%mul3A_47] : memref<25600xi32, #tpu.memory_space<vmem>> -> memref<200xi32, #tpu.memory_space<vmem>>
      %dma_wait3A_49 = arith.constant 0 : i32
      %dma_wait3A_50 = arith.constant 0 : i32
      %dma_wait3A_51 = tpu.memref_slice %arg3[%dma_wait3A_49, %dma_wait3A_50] : memref<1000000x64xf32, #tpu.memory_space<hbm>> -> memref<1000000x64xf32, #tpu.memory_space<hbm>>
      tpu.wait_indirect_dma semaphore(%arg14 : memref<!tpu.dma_semaphore, #tpu.memory_space<semaphore_mem>>) src(%dma_wait3A_51 : memref<1000000x64xf32, #tpu.memory_space<hbm>>) dst(%arg7 : memref<200x64xf32, #tpu.memory_space<vmem>>)
      %ge3A = arith.constant 2 : i32
      %ge3A_52 = arith.cmpi sge, %add3A_42, %ge3A : i32
      %convert_element_type3A = arith.extui %ge3A_52 : i1 to i32
      %cond3A = arith.constant 0 : i32
      %cond3A_53 = arith.cmpi ne, %convert_element_type3A, %cond3A : i32
      scf.if %cond3A_53 {
        %sub3A = arith.constant 400 : i32
        %sub3A_175 = arith.subi %add3A_45, %sub3A : i32
        %dma_wait3A_176 = arith.constant 0 : i32
        %dma_wait3A_177 = tpu.memref_slice %arg5[%sub3A_175, %dma_wait3A_176] : memref<819200x128xf32, #tpu.memory_space<hbm>> -> memref<200x64xf32, #tpu.memory_space<hbm>>
        %dma_wait3A_178 = arith.constant 0 : i32
        %dma_wait3A_179 = tpu.memref_slice %arg5[%sub3A_175, %dma_wait3A_178] : memref<819200x128xf32, #tpu.memory_space<hbm>> -> memref<200x64xf32, #tpu.memory_space<hbm>>
        tpu.wait_dma2 semaphore(%arg18 : memref<!tpu.dma_semaphore, #tpu.memory_space<semaphore_mem>>) src(%arg11 : memref<200x64xf32, #tpu.memory_space<vmem>>) dst(%dma_wait3A_179 : memref<200x64xf32, #tpu.memory_space<hbm>>)
      } else {
      }
      %scan3A_54 = arith.constant 0 : i32
      %scan3A_55 = arith.constant 0 : i32
      %scan3A_56 = arith.constant 100 : i32
      %scan3A_57 = arith.addi %scan3A_55, %scan3A_56 : i32
      %scan3A_58 = arith.constant 1 : i32
      scf.for %scan3A_175 = %scan3A_55 to %scan3A_57 step %scan3A_58  : i32 {
        %mul3A_176 = arith.constant 2 : i32
        %mul3A_177 = arith.muli %scan3A_175, %mul3A_176 : i32
        %add3A_178 = arith.constant 1 : i32
        %add3A_179 = arith.addi %mul3A_177, %add3A_178 : i32
        %get3A = arith.index_cast %mul3A_177 : i32 to index
        %get3A_180 = arith.constant 0 : index
        %get3A_181 = tpu.vector_load %arg7[%get3A, %get3A_180] {strides = array<i32>} : memref<200x64xf32, #tpu.memory_space<vmem>>, vector<1x16xf32>,
        %get3A_182 = vector.shape_cast %get3A_181 : vector<1x16xf32> to vector<16xf32>
        %mul3A_183 = arith.constant 8.000000e+00 : f32
        %mul3A_184 = vector.broadcast %mul3A_183 : f32 to vector<16xf32>
        %mul3A_185 = arith.mulf %get3A_182, %mul3A_184 : vector<16xf32>
        %get3A_186 = arith.index_cast %mul3A_177 : i32 to index
        %get3A_187 = arith.constant 0 : index
        %get3A_188 = tpu.vector_load %arg13[%get3A_186, %get3A_187] {strides = array<i32>} : memref<200x64xf32, #tpu.memory_space<vmem>>, vector<1x16xf32>,
        %get3A_189 = vector.shape_cast %get3A_188 : vector<1x16xf32> to vector<16xf32>
        %add3A_190 = arith.addf %mul3A_185, %get3A_189 : vector<16xf32>
        %swap3A = arith.index_cast %mul3A_177 : i32 to index
        %swap3A_191 = arith.constant 0 : index
        %swap3A_192 = tpu.vector_load %arg11[%swap3A, %swap3A_191] {strides = array<i32>} : memref<200x64xf32, #tpu.memory_space<vmem>>, vector<1x16xf32>,
        %swap3A_193 = vector.shape_cast %swap3A_192 : vector<1x16xf32> to vector<16xf32>
        %swap3A_194 = vector.shape_cast %add3A_190 : vector<16xf32> to vector<1x16xf32>
        tpu.vector_store %arg11[%swap3A, %swap3A_191], %swap3A_194 {strides = array<i32>} : memref<200x64xf32, #tpu.memory_space<vmem>>, vector<1x16xf32>,
        %get3A_195 = arith.index_cast %mul3A_177 : i32 to index
        %get3A_196 = arith.constant 16 : index
        %get3A_197 = tpu.vector_load %arg7[%get3A_195, %get3A_196] {strides = array<i32>} : memref<200x64xf32, #tpu.memory_space<vmem>>, vector<1x16xf32>,
        %get3A_198 = vector.shape_cast %get3A_197 : vector<1x16xf32> to vector<16xf32>
        %mul3A_199 = arith.constant 8.000000e+00 : f32
        %mul3A_200 = vector.broadcast %mul3A_199 : f32 to vector<16xf32>
        %mul3A_201 = arith.mulf %get3A_198, %mul3A_200 : vector<16xf32>
        %get3A_202 = arith.index_cast %mul3A_177 : i32 to index
        %get3A_203 = arith.constant 16 : index
        %get3A_204 = tpu.vector_load %arg13[%get3A_202, %get3A_203] {strides = array<i32>} : memref<200x64xf32, #tpu.memory_space<vmem>>, vector<1x16xf32>,
        %get3A_205 = vector.shape_cast %get3A_204 : vector<1x16xf32> to vector<16xf32>
        %add3A_206 = arith.addf %mul3A_201, %get3A_205 : vector<16xf32>
        %swap3A_207 = arith.index_cast %mul3A_177 : i32 to index
        %swap3A_208 = arith.constant 16 : index
        %swap3A_209 = tpu.vector_load %arg11[%swap3A_207, %swap3A_208] {strides = array<i32>} : memref<200x64xf32, #tpu.memory_space<vmem>>, vector<1x16xf32>,
        %swap3A_210 = vector.shape_cast %swap3A_209 : vector<1x16xf32> to vector<16xf32>
        %swap3A_211 = vector.shape_cast %add3A_206 : vector<16xf32> to vector<1x16xf32>
        tpu.vector_store %arg11[%swap3A_207, %swap3A_208], %swap3A_211 {strides = array<i32>} : memref<200x64xf32, #tpu.memory_space<vmem>>, vector<1x16xf32>,
        %get3A_212 = arith.index_cast %mul3A_177 : i32 to index
        %get3A_213 = arith.constant 32 : index
        %get3A_214 = tpu.vector_load %arg7[%get3A_212, %get3A_213] {strides = array<i32>} : memref<200x64xf32, #tpu.memory_space<vmem>>, vector<1x16xf32>,
        %get3A_215 = vector.shape_cast %get3A_214 : vector<1x16xf32> to vector<16xf32>
        %mul3A_216 = arith.constant 8.000000e+00 : f32
        %mul3A_217 = vector.broadcast %mul3A_216 : f32 to vector<16xf32>
        %mul3A_218 = arith.mulf %get3A_215, %mul3A_217 : vector<16xf32>
        %get3A_219 = arith.index_cast %mul3A_177 : i32 to index
        %get3A_220 = arith.constant 32 : index
        %get3A_221 = tpu.vector_load %arg13[%get3A_219, %get3A_220] {strides = array<i32>} : memref<200x64xf32, #tpu.memory_space<vmem>>, vector<1x16xf32>,
        %get3A_222 = vector.shape_cast %get3A_221 : vector<1x16xf32> to vector<16xf32>
        %add3A_223 = arith.addf %mul3A_218, %get3A_222 : vector<16xf32>
        %swap3A_224 = arith.index_cast %mul3A_177 : i32 to index
        %swap3A_225 = arith.constant 32 : index
        %swap3A_226 = tpu.vector_load %arg11[%swap3A_224, %swap3A_225] {strides = array<i32>} : memref<200x64xf32, #tpu.memory_space<vmem>>, vector<1x16xf32>,
        %swap3A_227 = vector.shape_cast %swap3A_226 : vector<1x16xf32> to vector<16xf32>
        %swap3A_228 = vector.shape_cast %add3A_223 : vector<16xf32> to vector<1x16xf32>
        tpu.vector_store %arg11[%swap3A_224, %swap3A_225], %swap3A_228 {strides = array<i32>} : memref<200x64xf32, #tpu.memory_space<vmem>>, vector<1x16xf32>,
        %get3A_229 = arith.index_cast %mul3A_177 : i32 to index
        %get3A_230 = arith.constant 48 : index
        %get3A_231 = tpu.vector_load %arg7[%get3A_229, %get3A_230] {strides = array<i32>} : memref<200x64xf32, #tpu.memory_space<vmem>>, vector<1x16xf32>,
        %get3A_232 = vector.shape_cast %get3A_231 : vector<1x16xf32> to vector<16xf32>
        %mul3A_233 = arith.constant 8.000000e+00 : f32
        %mul3A_234 = vector.broadcast %mul3A_233 : f32 to vector<16xf32>
        %mul3A_235 = arith.mulf %get3A_232, %mul3A_234 : vector<16xf32>
        %get3A_236 = arith.index_cast %mul3A_177 : i32 to index
        %get3A_237 = arith.constant 48 : index
        %get3A_238 = tpu.vector_load %arg13[%get3A_236, %get3A_237] {strides = array<i32>} : memref<200x64xf32, #tpu.memory_space<vmem>>, vector<1x16xf32>,
        %get3A_239 = vector.shape_cast %get3A_238 : vector<1x16xf32> to vector<16xf32>
        %add3A_240 = arith.addf %mul3A_235, %get3A_239 : vector<16xf32>
        %swap3A_241 = arith.index_cast %mul3A_177 : i32 to index
        %swap3A_242 = arith.constant 48 : index
        %swap3A_243 = tpu.vector_load %arg11[%swap3A_241, %swap3A_242] {strides = array<i32>} : memref<200x64xf32, #tpu.memory_space<vmem>>, vector<1x16xf32>,
        %swap3A_244 = vector.shape_cast %swap3A_243 : vector<1x16xf32> to vector<16xf32>
        %swap3A_245 = vector.shape_cast %add3A_240 : vector<16xf32> to vector<1x16xf32>
        tpu.vector_store %arg11[%swap3A_241, %swap3A_242], %swap3A_245 {strides = array<i32>} : memref<200x64xf32, #tpu.memory_space<vmem>>, vector<1x16xf32>,
        %get3A_246 = arith.index_cast %add3A_179 : i32 to index
        %get3A_247 = arith.constant 0 : index
        %get3A_248 = tpu.vector_load %arg7[%get3A_246, %get3A_247] {strides = array<i32>} : memref<200x64xf32, #tpu.memory_space<vmem>>, vector<1x16xf32>,
        %get3A_249 = vector.shape_cast %get3A_248 : vector<1x16xf32> to vector<16xf32>
        %mul3A_250 = arith.constant 8.000000e+00 : f32
        %mul3A_251 = vector.broadcast %mul3A_250 : f32 to vector<16xf32>
        %mul3A_252 = arith.mulf %get3A_249, %mul3A_251 : vector<16xf32>
        %get3A_253 = arith.index_cast %add3A_179 : i32 to index
        %get3A_254 = arith.constant 0 : index
        %get3A_255 = tpu.vector_load %arg13[%get3A_253, %get3A_254] {strides = array<i32>} : memref<200x64xf32, #tpu.memory_space<vmem>>, vector<1x16xf32>,
        %get3A_256 = vector.shape_cast %get3A_255 : vector<1x16xf32> to vector<16xf32>
        %add3A_257 = arith.addf %mul3A_252, %get3A_256 : vector<16xf32>
        %swap3A_258 = arith.index_cast %add3A_179 : i32 to index
        %swap3A_259 = arith.constant 0 : index
        %swap3A_260 = tpu.vector_load %arg11[%swap3A_258, %swap3A_259] {strides = array<i32>} : memref<200x64xf32, #tpu.memory_space<vmem>>, vector<1x16xf32>,
        %swap3A_261 = vector.shape_cast %swap3A_260 : vector<1x16xf32> to vector<16xf32>
        %swap3A_262 = vector.shape_cast %add3A_257 : vector<16xf32> to vector<1x16xf32>
        tpu.vector_store %arg11[%swap3A_258, %swap3A_259], %swap3A_262 {strides = array<i32>} : memref<200x64xf32, #tpu.memory_space<vmem>>, vector<1x16xf32>,
        %get3A_263 = arith.index_cast %add3A_179 : i32 to index
        %get3A_264 = arith.constant 16 : index
        %get3A_265 = tpu.vector_load %arg7[%get3A_263, %get3A_264] {strides = array<i32>} : memref<200x64xf32, #tpu.memory_space<vmem>>, vector<1x16xf32>,
        %get3A_266 = vector.shape_cast %get3A_265 : vector<1x16xf32> to vector<16xf32>
        %mul3A_267 = arith.constant 8.000000e+00 : f32
        %mul3A_268 = vector.broadcast %mul3A_267 : f32 to vector<16xf32>
        %mul3A_269 = arith.mulf %get3A_266, %mul3A_268 : vector<16xf32>
        %get3A_270 = arith.index_cast %add3A_179 : i32 to index
        %get3A_271 = arith.constant 16 : index
        %get3A_272 = tpu.vector_load %arg13[%get3A_270, %get3A_271] {strides = array<i32>} : memref<200x64xf32, #tpu.memory_space<vmem>>, vector<1x16xf32>,
        %get3A_273 = vector.shape_cast %get3A_272 : vector<1x16xf32> to vector<16xf32>
        %add3A_274 = arith.addf %mul3A_269, %get3A_273 : vector<16xf32>
        %swap3A_275 = arith.index_cast %add3A_179 : i32 to index
        %swap3A_276 = arith.constant 16 : index
        %swap3A_277 = tpu.vector_load %arg11[%swap3A_275, %swap3A_276] {strides = array<i32>} : memref<200x64xf32, #tpu.memory_space<vmem>>, vector<1x16xf32>,
        %swap3A_278 = vector.shape_cast %swap3A_277 : vector<1x16xf32> to vector<16xf32>
        %swap3A_279 = vector.shape_cast %add3A_274 : vector<16xf32> to vector<1x16xf32>
        tpu.vector_store %arg11[%swap3A_275, %swap3A_276], %swap3A_279 {strides = array<i32>} : memref<200x64xf32, #tpu.memory_space<vmem>>, vector<1x16xf32>,
        %get3A_280 = arith.index_cast %add3A_179 : i32 to index
        %get3A_281 = arith.constant 32 : index
        %get3A_282 = tpu.vector_load %arg7[%get3A_280, %get3A_281] {strides = array<i32>} : memref<200x64xf32, #tpu.memory_space<vmem>>, vector<1x16xf32>,
        %get3A_283 = vector.shape_cast %get3A_282 : vector<1x16xf32> to vector<16xf32>
        %mul3A_284 = arith.constant 8.000000e+00 : f32
        %mul3A_285 = vector.broadcast %mul3A_284 : f32 to vector<16xf32>
        %mul3A_286 = arith.mulf %get3A_283, %mul3A_285 : vector<16xf32>
        %get3A_287 = arith.index_cast %add3A_179 : i32 to index
        %get3A_288 = arith.constant 32 : index
        %get3A_289 = tpu.vector_load %arg13[%get3A_287, %get3A_288] {strides = array<i32>} : memref<200x64xf32, #tpu.memory_space<vmem>>, vector<1x16xf32>,
        %get3A_290 = vector.shape_cast %get3A_289 : vector<1x16xf32> to vector<16xf32>
        %add3A_291 = arith.addf %mul3A_286, %get3A_290 : vector<16xf32>
        %swap3A_292 = arith.index_cast %add3A_179 : i32 to index
        %swap3A_293 = arith.constant 32 : index
        %swap3A_294 = tpu.vector_load %arg11[%swap3A_292, %swap3A_293] {strides = array<i32>} : memref<200x64xf32, #tpu.memory_space<vmem>>, vector<1x16xf32>,
        %swap3A_295 = vector.shape_cast %swap3A_294 : vector<1x16xf32> to vector<16xf32>
        %swap3A_296 = vector.shape_cast %add3A_291 : vector<16xf32> to vector<1x16xf32>
        tpu.vector_store %arg11[%swap3A_292, %swap3A_293], %swap3A_296 {strides = array<i32>} : memref<200x64xf32, #tpu.memory_space<vmem>>, vector<1x16xf32>,
        %get3A_297 = arith.index_cast %add3A_179 : i32 to index
        %get3A_298 = arith.constant 48 : index
        %get3A_299 = tpu.vector_load %arg7[%get3A_297, %get3A_298] {strides = array<i32>} : memref<200x64xf32, #tpu.memory_space<vmem>>, vector<1x16xf32>,
        %get3A_300 = vector.shape_cast %get3A_299 : vector<1x16xf32> to vector<16xf32>
        %mul3A_301 = arith.constant 8.000000e+00 : f32
        %mul3A_302 = vector.broadcast %mul3A_301 : f32 to vector<16xf32>
        %mul3A_303 = arith.mulf %get3A_300, %mul3A_302 : vector<16xf32>
        %get3A_304 = arith.index_cast %add3A_179 : i32 to index
        %get3A_305 = arith.constant 48 : index
        %get3A_306 = tpu.vector_load %arg13[%get3A_304, %get3A_305] {strides = array<i32>} : memref<200x64xf32, #tpu.memory_space<vmem>>, vector<1x16xf32>,
        %get3A_307 = vector.shape_cast %get3A_306 : vector<1x16xf32> to vector<16xf32>
        %add3A_308 = arith.addf %mul3A_303, %get3A_307 : vector<16xf32>
        %swap3A_309 = arith.index_cast %add3A_179 : i32 to index
        %swap3A_310 = arith.constant 48 : index
        %swap3A_311 = tpu.vector_load %arg11[%swap3A_309, %swap3A_310] {strides = array<i32>} : memref<200x64xf32, #tpu.memory_space<vmem>>, vector<1x16xf32>,
        %swap3A_312 = vector.shape_cast %swap3A_311 : vector<1x16xf32> to vector<16xf32>
        %swap3A_313 = vector.shape_cast %add3A_308 : vector<16xf32> to vector<1x16xf32>
        tpu.vector_store %arg11[%swap3A_309, %swap3A_310], %swap3A_313 {strides = array<i32>} : memref<200x64xf32, #tpu.memory_space<vmem>>, vector<1x16xf32>,
      }
      %scan3A_59 = arith.constant 100 : i32
      %dma_start3A_60 = arith.constant 0 : i32
      %dma_start3A_61 = tpu.memref_slice %arg5[%add3A_45, %dma_start3A_60] : memref<819200x128xf32, #tpu.memory_space<hbm>> -> memref<200x64xf32, #tpu.memory_space<hbm>>
      %dma_start3A_62 = arith.constant 0 : i32
      %dma_start3A_63 = tpu.memref_slice %arg5[%add3A_45, %dma_start3A_62] : memref<819200x128xf32, #tpu.memory_space<hbm>> -> memref<200x64xf32, #tpu.memory_space<hbm>>
      tpu.enqueue_dma source(%arg11 : memref<200x64xf32, #tpu.memory_space<vmem>>) target(%dma_start3A_63 : memref<200x64xf32, #tpu.memory_space<hbm>>) target_semaphore(%arg18 : memref<!tpu.dma_semaphore, #tpu.memory_space<semaphore_mem>>)
      %add3A_64 = arith.constant 4 : i32
      %add3A_65 = arith.addi %add3A_42, %add3A_64 : i32
      %lt3A = arith.constant 128 : i32
      %lt3A_66 = arith.cmpi slt, %add3A_65, %lt3A : i32
      %convert_element_type3A_67 = arith.extui %lt3A_66 : i1 to i32
      %cond3A_68 = arith.constant 0 : i32
      %cond3A_69 = arith.cmpi ne, %convert_element_type3A_67, %cond3A_68 : i32
      scf.if %cond3A_69 {
        %mul3A_175 = arith.constant 200 : i32
        %mul3A_176 = arith.muli %add3A_65, %mul3A_175 : i32
        %dma_start3A_177 = tpu.memref_slice %arg6[%mul3A_176] : memref<25600xi32, #tpu.memory_space<vmem>> -> memref<200xi32, #tpu.memory_space<vmem>>
        %dma_start3A_178 = arith.constant 0 : i32
        %dma_start3A_179 = arith.constant 0 : i32
        %dma_start3A_180 = tpu.memref_slice %arg3[%dma_start3A_178, %dma_start3A_179] : memref<1000000x64xf32, #tpu.memory_space<hbm>> -> memref<1000000x64xf32, #tpu.memory_space<hbm>>
        tpu.enqueue_indirect_dma source(%dma_start3A_180 : memref<1000000x64xf32, #tpu.memory_space<hbm>>) target(%arg7 : memref<200x64xf32, #tpu.memory_space<vmem>>) offsets(%dma_start3A_177 : memref<200xi32, #tpu.memory_space<vmem>>) semaphore(%arg14 : memref<!tpu.dma_semaphore, #tpu.memory_space<semaphore_mem>>)
      } else {
      }
      %mul3A_70 = arith.constant 4 : i32
      %mul3A_71 = arith.muli %scan3A_38, %mul3A_70 : i32
      %add3A_72 = arith.constant 1 : i32
      %add3A_73 = arith.addi %mul3A_71, %add3A_72 : i32
      %mul3A_74 = arith.constant 200 : i32
      %mul3A_75 = arith.muli %add3A_73, %mul3A_74 : i32
      %add3A_76 = arith.addi %mul3A_2, %mul3A_75 : i32
      %mul3A_77 = arith.constant 200 : i32
      %mul3A_78 = arith.muli %add3A_73, %mul3A_77 : i32
      %dma_wait3A_79 = tpu.memref_slice %arg6[%mul3A_78] : memref<25600xi32, #tpu.memory_space<vmem>> -> memref<200xi32, #tpu.memory_space<vmem>>
      %dma_wait3A_80 = arith.constant 0 : i32
      %dma_wait3A_81 = arith.constant 0 : i32
      %dma_wait3A_82 = tpu.memref_slice %arg3[%dma_wait3A_80, %dma_wait3A_81] : memref<1000000x64xf32, #tpu.memory_space<hbm>> -> memref<1000000x64xf32, #tpu.memory_space<hbm>>
      tpu.wait_indirect_dma semaphore(%arg15 : memref<!tpu.dma_semaphore, #tpu.memory_space<semaphore_mem>>) src(%dma_wait3A_82 : memref<1000000x64xf32, #tpu.memory_space<hbm>>) dst(%arg8 : memref<200x64xf32, #tpu.memory_space<vmem>>)
      %ge3A_83 = arith.constant 2 : i32
      %ge3A_84 = arith.cmpi sge, %add3A_73, %ge3A_83 : i32
      %convert_element_type3A_85 = arith.extui %ge3A_84 : i1 to i32
      %cond3A_86 = arith.constant 0 : i32
      %cond3A_87 = arith.cmpi ne, %convert_element_type3A_85, %cond3A_86 : i32
      scf.if %cond3A_87 {
        %sub3A = arith.constant 400 : i32
        %sub3A_175 = arith.subi %add3A_76, %sub3A : i32
        %dma_wait3A_176 = arith.constant 0 : i32
        %dma_wait3A_177 = tpu.memref_slice %arg5[%sub3A_175, %dma_wait3A_176] : memref<819200x128xf32, #tpu.memory_space<hbm>> -> memref<200x64xf32, #tpu.memory_space<hbm>>
        %dma_wait3A_178 = arith.constant 0 : i32
        %dma_wait3A_179 = tpu.memref_slice %arg5[%sub3A_175, %dma_wait3A_178] : memref<819200x128xf32, #tpu.memory_space<hbm>> -> memref<200x64xf32, #tpu.memory_space<hbm>>
        tpu.wait_dma2 semaphore(%arg19 : memref<!tpu.dma_semaphore, #tpu.memory_space<semaphore_mem>>) src(%arg12 : memref<200x64xf32, #tpu.memory_space<vmem>>) dst(%dma_wait3A_179 : memref<200x64xf32, #tpu.memory_space<hbm>>)
      } else {
      }
      %scan3A_88 = arith.constant 0 : i32
      %scan3A_89 = arith.constant 0 : i32
      %scan3A_90 = arith.constant 100 : i32
      %scan3A_91 = arith.addi %scan3A_89, %scan3A_90 : i32
      %scan3A_92 = arith.constant 1 : i32
      scf.for %scan3A_175 = %scan3A_89 to %scan3A_91 step %scan3A_92  : i32 {
        %mul3A_176 = arith.constant 2 : i32
        %mul3A_177 = arith.muli %scan3A_175, %mul3A_176 : i32
        %add3A_178 = arith.constant 1 : i32
        %add3A_179 = arith.addi %mul3A_177, %add3A_178 : i32
        %get3A = arith.index_cast %mul3A_177 : i32 to index
        %get3A_180 = arith.constant 0 : index
        %get3A_181 = tpu.vector_load %arg8[%get3A, %get3A_180] {strides = array<i32>} : memref<200x64xf32, #tpu.memory_space<vmem>>, vector<1x16xf32>,
        %get3A_182 = vector.shape_cast %get3A_181 : vector<1x16xf32> to vector<16xf32>
        %mul3A_183 = arith.constant 8.000000e+00 : f32
        %mul3A_184 = vector.broadcast %mul3A_183 : f32 to vector<16xf32>
        %mul3A_185 = arith.mulf %get3A_182, %mul3A_184 : vector<16xf32>
        %get3A_186 = arith.index_cast %mul3A_177 : i32 to index
        %get3A_187 = arith.constant 0 : index
        %get3A_188 = tpu.vector_load %arg13[%get3A_186, %get3A_187] {strides = array<i32>} : memref<200x64xf32, #tpu.memory_space<vmem>>, vector<1x16xf32>,
        %get3A_189 = vector.shape_cast %get3A_188 : vector<1x16xf32> to vector<16xf32>
        %add3A_190 = arith.addf %mul3A_185, %get3A_189 : vector<16xf32>
        %swap3A = arith.index_cast %mul3A_177 : i32 to index
        %swap3A_191 = arith.constant 0 : index
        %swap3A_192 = tpu.vector_load %arg12[%swap3A, %swap3A_191] {strides = array<i32>} : memref<200x64xf32, #tpu.memory_space<vmem>>, vector<1x16xf32>,
        %swap3A_193 = vector.shape_cast %swap3A_192 : vector<1x16xf32> to vector<16xf32>
        %swap3A_194 = vector.shape_cast %add3A_190 : vector<16xf32> to vector<1x16xf32>
        tpu.vector_store %arg12[%swap3A, %swap3A_191], %swap3A_194 {strides = array<i32>} : memref<200x64xf32, #tpu.memory_space<vmem>>, vector<1x16xf32>,
        %get3A_195 = arith.index_cast %mul3A_177 : i32 to index
        %get3A_196 = arith.constant 16 : index
        %get3A_197 = tpu.vector_load %arg8[%get3A_195, %get3A_196] {strides = array<i32>} : memref<200x64xf32, #tpu.memory_space<vmem>>, vector<1x16xf32>,
        %get3A_198 = vector.shape_cast %get3A_197 : vector<1x16xf32> to vector<16xf32>
        %mul3A_199 = arith.constant 8.000000e+00 : f32
        %mul3A_200 = vector.broadcast %mul3A_199 : f32 to vector<16xf32>
        %mul3A_201 = arith.mulf %get3A_198, %mul3A_200 : vector<16xf32>
        %get3A_202 = arith.index_cast %mul3A_177 : i32 to index
        %get3A_203 = arith.constant 16 : index
        %get3A_204 = tpu.vector_load %arg13[%get3A_202, %get3A_203] {strides = array<i32>} : memref<200x64xf32, #tpu.memory_space<vmem>>, vector<1x16xf32>,
        %get3A_205 = vector.shape_cast %get3A_204 : vector<1x16xf32> to vector<16xf32>
        %add3A_206 = arith.addf %mul3A_201, %get3A_205 : vector<16xf32>
        %swap3A_207 = arith.index_cast %mul3A_177 : i32 to index
        %swap3A_208 = arith.constant 16 : index
        %swap3A_209 = tpu.vector_load %arg12[%swap3A_207, %swap3A_208] {strides = array<i32>} : memref<200x64xf32, #tpu.memory_space<vmem>>, vector<1x16xf32>,
        %swap3A_210 = vector.shape_cast %swap3A_209 : vector<1x16xf32> to vector<16xf32>
        %swap3A_211 = vector.shape_cast %add3A_206 : vector<16xf32> to vector<1x16xf32>
        tpu.vector_store %arg12[%swap3A_207, %swap3A_208], %swap3A_211 {strides = array<i32>} : memref<200x64xf32, #tpu.memory_space<vmem>>, vector<1x16xf32>,
        %get3A_212 = arith.index_cast %mul3A_177 : i32 to index
        %get3A_213 = arith.constant 32 : index
        %get3A_214 = tpu.vector_load %arg8[%get3A_212, %get3A_213] {strides = array<i32>} : memref<200x64xf32, #tpu.memory_space<vmem>>, vector<1x16xf32>,
        %get3A_215 = vector.shape_cast %get3A_214 : vector<1x16xf32> to vector<16xf32>
        %mul3A_216 = arith.constant 8.000000e+00 : f32
        %mul3A_217 = vector.broadcast %mul3A_216 : f32 to vector<16xf32>
        %mul3A_218 = arith.mulf %get3A_215, %mul3A_217 : vector<16xf32>
        %get3A_219 = arith.index_cast %mul3A_177 : i32 to index
        %get3A_220 = arith.constant 32 : index
        %get3A_221 = tpu.vector_load %arg13[%get3A_219, %get3A_220] {strides = array<i32>} : memref<200x64xf32, #tpu.memory_space<vmem>>, vector<1x16xf32>,
        %get3A_222 = vector.shape_cast %get3A_221 : vector<1x16xf32> to vector<16xf32>
        %add3A_223 = arith.addf %mul3A_218, %get3A_222 : vector<16xf32>
        %swap3A_224 = arith.index_cast %mul3A_177 : i32 to index
        %swap3A_225 = arith.constant 32 : index
        %swap3A_226 = tpu.vector_load %arg12[%swap3A_224, %swap3A_225] {strides = array<i32>} : memref<200x64xf32, #tpu.memory_space<vmem>>, vector<1x16xf32>,
        %swap3A_227 = vector.shape_cast %swap3A_226 : vector<1x16xf32> to vector<16xf32>
        %swap3A_228 = vector.shape_cast %add3A_223 : vector<16xf32> to vector<1x16xf32>
        tpu.vector_store %arg12[%swap3A_224, %swap3A_225], %swap3A_228 {strides = array<i32>} : memref<200x64xf32, #tpu.memory_space<vmem>>, vector<1x16xf32>,
        %get3A_229 = arith.index_cast %mul3A_177 : i32 to index
        %get3A_230 = arith.constant 48 : index
        %get3A_231 = tpu.vector_load %arg8[%get3A_229, %get3A_230] {strides = array<i32>} : memref<200x64xf32, #tpu.memory_space<vmem>>, vector<1x16xf32>,
        %get3A_232 = vector.shape_cast %get3A_231 : vector<1x16xf32> to vector<16xf32>
        %mul3A_233 = arith.constant 8.000000e+00 : f32
        %mul3A_234 = vector.broadcast %mul3A_233 : f32 to vector<16xf32>
        %mul3A_235 = arith.mulf %get3A_232, %mul3A_234 : vector<16xf32>
        %get3A_236 = arith.index_cast %mul3A_177 : i32 to index
        %get3A_237 = arith.constant 48 : index
        %get3A_238 = tpu.vector_load %arg13[%get3A_236, %get3A_237] {strides = array<i32>} : memref<200x64xf32, #tpu.memory_space<vmem>>, vector<1x16xf32>,
        %get3A_239 = vector.shape_cast %get3A_238 : vector<1x16xf32> to vector<16xf32>
        %add3A_240 = arith.addf %mul3A_235, %get3A_239 : vector<16xf32>
        %swap3A_241 = arith.index_cast %mul3A_177 : i32 to index
        %swap3A_242 = arith.constant 48 : index
        %swap3A_243 = tpu.vector_load %arg12[%swap3A_241, %swap3A_242] {strides = array<i32>} : memref<200x64xf32, #tpu.memory_space<vmem>>, vector<1x16xf32>,
        %swap3A_244 = vector.shape_cast %swap3A_243 : vector<1x16xf32> to vector<16xf32>
        %swap3A_245 = vector.shape_cast %add3A_240 : vector<16xf32> to vector<1x16xf32>
        tpu.vector_store %arg12[%swap3A_241, %swap3A_242], %swap3A_245 {strides = array<i32>} : memref<200x64xf32, #tpu.memory_space<vmem>>, vector<1x16xf32>,
        %get3A_246 = arith.index_cast %add3A_179 : i32 to index
        %get3A_247 = arith.constant 0 : index
        %get3A_248 = tpu.vector_load %arg8[%get3A_246, %get3A_247] {strides = array<i32>} : memref<200x64xf32, #tpu.memory_space<vmem>>, vector<1x16xf32>,
        %get3A_249 = vector.shape_cast %get3A_248 : vector<1x16xf32> to vector<16xf32>
        %mul3A_250 = arith.constant 8.000000e+00 : f32
        %mul3A_251 = vector.broadcast %mul3A_250 : f32 to vector<16xf32>
        %mul3A_252 = arith.mulf %get3A_249, %mul3A_251 : vector<16xf32>
        %get3A_253 = arith.index_cast %add3A_179 : i32 to index
        %get3A_254 = arith.constant 0 : index
        %get3A_255 = tpu.vector_load %arg13[%get3A_253, %get3A_254] {strides = array<i32>} : memref<200x64xf32, #tpu.memory_space<vmem>>, vector<1x16xf32>,
        %get3A_256 = vector.shape_cast %get3A_255 : vector<1x16xf32> to vector<16xf32>
        %add3A_257 = arith.addf %mul3A_252, %get3A_256 : vector<16xf32>
        %swap3A_258 = arith.index_cast %add3A_179 : i32 to index
        %swap3A_259 = arith.constant 0 : index
        %swap3A_260 = tpu.vector_load %arg12[%swap3A_258, %swap3A_259] {strides = array<i32>} : memref<200x64xf32, #tpu.memory_space<vmem>>, vector<1x16xf32>,
        %swap3A_261 = vector.shape_cast %swap3A_260 : vector<1x16xf32> to vector<16xf32>
        %swap3A_262 = vector.shape_cast %add3A_257 : vector<16xf32> to vector<1x16xf32>
        tpu.vector_store %arg12[%swap3A_258, %swap3A_259], %swap3A_262 {strides = array<i32>} : memref<200x64xf32, #tpu.memory_space<vmem>>, vector<1x16xf32>,
        %get3A_263 = arith.index_cast %add3A_179 : i32 to index
        %get3A_264 = arith.constant 16 : index
        %get3A_265 = tpu.vector_load %arg8[%get3A_263, %get3A_264] {strides = array<i32>} : memref<200x64xf32, #tpu.memory_space<vmem>>, vector<1x16xf32>,
        %get3A_266 = vector.shape_cast %get3A_265 : vector<1x16xf32> to vector<16xf32>
        %mul3A_267 = arith.constant 8.000000e+00 : f32
        %mul3A_268 = vector.broadcast %mul3A_267 : f32 to vector<16xf32>
        %mul3A_269 = arith.mulf %get3A_266, %mul3A_268 : vector<16xf32>
        %get3A_270 = arith.index_cast %add3A_179 : i32 to index
        %get3A_271 = arith.constant 16 : index
        %get3A_272 = tpu.vector_load %arg13[%get3A_270, %get3A_271] {strides = array<i32>} : memref<200x64xf32, #tpu.memory_space<vmem>>, vector<1x16xf32>,
        %get3A_273 = vector.shape_cast %get3A_272 : vector<1x16xf32> to vector<16xf32>
        %add3A_274 = arith.addf %mul3A_269, %get3A_273 : vector<16xf32>
        %swap3A_275 = arith.index_cast %add3A_179 : i32 to index
        %swap3A_276 = arith.constant 16 : index
        %swap3A_277 = tpu.vector_load %arg12[%swap3A_275, %swap3A_276] {strides = array<i32>} : memref<200x64xf32, #tpu.memory_space<vmem>>, vector<1x16xf32>,
        %swap3A_278 = vector.shape_cast %swap3A_277 : vector<1x16xf32> to vector<16xf32>
        %swap3A_279 = vector.shape_cast %add3A_274 : vector<16xf32> to vector<1x16xf32>
        tpu.vector_store %arg12[%swap3A_275, %swap3A_276], %swap3A_279 {strides = array<i32>} : memref<200x64xf32, #tpu.memory_space<vmem>>, vector<1x16xf32>,
        %get3A_280 = arith.index_cast %add3A_179 : i32 to index
        %get3A_281 = arith.constant 32 : index
        %get3A_282 = tpu.vector_load %arg8[%get3A_280, %get3A_281] {strides = array<i32>} : memref<200x64xf32, #tpu.memory_space<vmem>>, vector<1x16xf32>,
        %get3A_283 = vector.shape_cast %get3A_282 : vector<1x16xf32> to vector<16xf32>
        %mul3A_284 = arith.constant 8.000000e+00 : f32
        %mul3A_285 = vector.broadcast %mul3A_284 : f32 to vector<16xf32>
        %mul3A_286 = arith.mulf %get3A_283, %mul3A_285 : vector<16xf32>
        %get3A_287 = arith.index_cast %add3A_179 : i32 to index
        %get3A_288 = arith.constant 32 : index
        %get3A_289 = tpu.vector_load %arg13[%get3A_287, %get3A_288] {strides = array<i32>} : memref<200x64xf32, #tpu.memory_space<vmem>>, vector<1x16xf32>,
        %get3A_290 = vector.shape_cast %get3A_289 : vector<1x16xf32> to vector<16xf32>
        %add3A_291 = arith.addf %mul3A_286, %get3A_290 : vector<16xf32>
        %swap3A_292 = arith.index_cast %add3A_179 : i32 to index
        %swap3A_293 = arith.constant 32 : index
        %swap3A_294 = tpu.vector_load %arg12[%swap3A_292, %swap3A_293] {strides = array<i32>} : memref<200x64xf32, #tpu.memory_space<vmem>>, vector<1x16xf32>,
        %swap3A_295 = vector.shape_cast %swap3A_294 : vector<1x16xf32> to vector<16xf32>
        %swap3A_296 = vector.shape_cast %add3A_291 : vector<16xf32> to vector<1x16xf32>
        tpu.vector_store %arg12[%swap3A_292, %swap3A_293], %swap3A_296 {strides = array<i32>} : memref<200x64xf32, #tpu.memory_space<vmem>>, vector<1x16xf32>,
        %get3A_297 = arith.index_cast %add3A_179 : i32 to index
        %get3A_298 = arith.constant 48 : index
        %get3A_299 = tpu.vector_load %arg8[%get3A_297, %get3A_298] {strides = array<i32>} : memref<200x64xf32, #tpu.memory_space<vmem>>, vector<1x16xf32>,
        %get3A_300 = vector.shape_cast %get3A_299 : vector<1x16xf32> to vector<16xf32>
        %mul3A_301 = arith.constant 8.000000e+00 : f32
        %mul3A_302 = vector.broadcast %mul3A_301 : f32 to vector<16xf32>
        %mul3A_303 = arith.mulf %get3A_300, %mul3A_302 : vector<16xf32>
        %get3A_304 = arith.index_cast %add3A_179 : i32 to index
        %get3A_305 = arith.constant 48 : index
        %get3A_306 = tpu.vector_load %arg13[%get3A_304, %get3A_305] {strides = array<i32>} : memref<200x64xf32, #tpu.memory_space<vmem>>, vector<1x16xf32>,
        %get3A_307 = vector.shape_cast %get3A_306 : vector<1x16xf32> to vector<16xf32>
        %add3A_308 = arith.addf %mul3A_303, %get3A_307 : vector<16xf32>
        %swap3A_309 = arith.index_cast %add3A_179 : i32 to index
        %swap3A_310 = arith.constant 48 : index
        %swap3A_311 = tpu.vector_load %arg12[%swap3A_309, %swap3A_310] {strides = array<i32>} : memref<200x64xf32, #tpu.memory_space<vmem>>, vector<1x16xf32>,
        %swap3A_312 = vector.shape_cast %swap3A_311 : vector<1x16xf32> to vector<16xf32>
        %swap3A_313 = vector.shape_cast %add3A_308 : vector<16xf32> to vector<1x16xf32>
        tpu.vector_store %arg12[%swap3A_309, %swap3A_310], %swap3A_313 {strides = array<i32>} : memref<200x64xf32, #tpu.memory_space<vmem>>, vector<1x16xf32>,
      }
      %scan3A_93 = arith.constant 100 : i32
      %dma_start3A_94 = arith.constant 0 : i32
      %dma_start3A_95 = tpu.memref_slice %arg5[%add3A_76, %dma_start3A_94] : memref<819200x128xf32, #tpu.memory_space<hbm>> -> memref<200x64xf32, #tpu.memory_space<hbm>>
      %dma_start3A_96 = arith.constant 0 : i32
      %dma_start3A_97 = tpu.memref_slice %arg5[%add3A_76, %dma_start3A_96] : memref<819200x128xf32, #tpu.memory_space<hbm>> -> memref<200x64xf32, #tpu.memory_space<hbm>>
      tpu.enqueue_dma source(%arg12 : memref<200x64xf32, #tpu.memory_space<vmem>>) target(%dma_start3A_97 : memref<200x64xf32, #tpu.memory_space<hbm>>) target_semaphore(%arg19 : memref<!tpu.dma_semaphore, #tpu.memory_space<semaphore_mem>>)
      %add3A_98 = arith.constant 4 : i32
      %add3A_99 = arith.addi %add3A_73, %add3A_98 : i32
      %lt3A_100 = arith.constant 128 : i32
      %lt3A_101 = arith.cmpi slt, %add3A_99, %lt3A_100 : i32
      %convert_element_type3A_102 = arith.extui %lt3A_101 : i1 to i32
      %cond3A_103 = arith.constant 0 : i32
      %cond3A_104 = arith.cmpi ne, %convert_element_type3A_102, %cond3A_103 : i32
      scf.if %cond3A_104 {
        %mul3A_175 = arith.constant 200 : i32
        %mul3A_176 = arith.muli %add3A_99, %mul3A_175 : i32
        %dma_start3A_177 = tpu.memref_slice %arg6[%mul3A_176] : memref<25600xi32, #tpu.memory_space<vmem>> -> memref<200xi32, #tpu.memory_space<vmem>>
        %dma_start3A_178 = arith.constant 0 : i32
        %dma_start3A_179 = arith.constant 0 : i32
        %dma_start3A_180 = tpu.memref_slice %arg3[%dma_start3A_178, %dma_start3A_179] : memref<1000000x64xf32, #tpu.memory_space<hbm>> -> memref<1000000x64xf32, #tpu.memory_space<hbm>>
        tpu.enqueue_indirect_dma source(%dma_start3A_180 : memref<1000000x64xf32, #tpu.memory_space<hbm>>) target(%arg8 : memref<200x64xf32, #tpu.memory_space<vmem>>) offsets(%dma_start3A_177 : memref<200xi32, #tpu.memory_space<vmem>>) semaphore(%arg15 : memref<!tpu.dma_semaphore, #tpu.memory_space<semaphore_mem>>)
      } else {
      }
      %mul3A_105 = arith.constant 4 : i32
      %mul3A_106 = arith.muli %scan3A_38, %mul3A_105 : i32
      %add3A_107 = arith.constant 2 : i32
      %add3A_108 = arith.addi %mul3A_106, %add3A_107 : i32
      %mul3A_109 = arith.constant 200 : i32
      %mul3A_110 = arith.muli %add3A_108, %mul3A_109 : i32
      %add3A_111 = arith.addi %mul3A_2, %mul3A_110 : i32
      %mul3A_112 = arith.constant 200 : i32
      %mul3A_113 = arith.muli %add3A_108, %mul3A_112 : i32
      %dma_wait3A_114 = tpu.memref_slice %arg6[%mul3A_113] : memref<25600xi32, #tpu.memory_space<vmem>> -> memref<200xi32, #tpu.memory_space<vmem>>
      %dma_wait3A_115 = arith.constant 0 : i32
      %dma_wait3A_116 = arith.constant 0 : i32
      %dma_wait3A_117 = tpu.memref_slice %arg3[%dma_wait3A_115, %dma_wait3A_116] : memref<1000000x64xf32, #tpu.memory_space<hbm>> -> memref<1000000x64xf32, #tpu.memory_space<hbm>>
      tpu.wait_indirect_dma semaphore(%arg16 : memref<!tpu.dma_semaphore, #tpu.memory_space<semaphore_mem>>) src(%dma_wait3A_117 : memref<1000000x64xf32, #tpu.memory_space<hbm>>) dst(%arg9 : memref<200x64xf32, #tpu.memory_space<vmem>>)
      %ge3A_118 = arith.constant 2 : i32
      %ge3A_119 = arith.cmpi sge, %add3A_108, %ge3A_118 : i32
      %convert_element_type3A_120 = arith.extui %ge3A_119 : i1 to i32
      %cond3A_121 = arith.constant 0 : i32
      %cond3A_122 = arith.cmpi ne, %convert_element_type3A_120, %cond3A_121 : i32
      scf.if %cond3A_122 {
        %sub3A = arith.constant 400 : i32
        %sub3A_175 = arith.subi %add3A_111, %sub3A : i32
        %dma_wait3A_176 = arith.constant 0 : i32
        %dma_wait3A_177 = tpu.memref_slice %arg5[%sub3A_175, %dma_wait3A_176] : memref<819200x128xf32, #tpu.memory_space<hbm>> -> memref<200x64xf32, #tpu.memory_space<hbm>>
        %dma_wait3A_178 = arith.constant 0 : i32
        %dma_wait3A_179 = tpu.memref_slice %arg5[%sub3A_175, %dma_wait3A_178] : memref<819200x128xf32, #tpu.memory_space<hbm>> -> memref<200x64xf32, #tpu.memory_space<hbm>>
        tpu.wait_dma2 semaphore(%arg18 : memref<!tpu.dma_semaphore, #tpu.memory_space<semaphore_mem>>) src(%arg11 : memref<200x64xf32, #tpu.memory_space<vmem>>) dst(%dma_wait3A_179 : memref<200x64xf32, #tpu.memory_space<hbm>>)
      } else {
      }
      %scan3A_123 = arith.constant 0 : i32
      %scan3A_124 = arith.constant 0 : i32
      %scan3A_125 = arith.constant 100 : i32
      %scan3A_126 = arith.addi %scan3A_124, %scan3A_125 : i32
      %scan3A_127 = arith.constant 1 : i32
      scf.for %scan3A_175 = %scan3A_124 to %scan3A_126 step %scan3A_127  : i32 {
        %mul3A_176 = arith.constant 2 : i32
        %mul3A_177 = arith.muli %scan3A_175, %mul3A_176 : i32
        %add3A_178 = arith.constant 1 : i32
        %add3A_179 = arith.addi %mul3A_177, %add3A_178 : i32
        %get3A = arith.index_cast %mul3A_177 : i32 to index
        %get3A_180 = arith.constant 0 : index
        %get3A_181 = tpu.vector_load %arg9[%get3A, %get3A_180] {strides = array<i32>} : memref<200x64xf32, #tpu.memory_space<vmem>>, vector<1x16xf32>,
        %get3A_182 = vector.shape_cast %get3A_181 : vector<1x16xf32> to vector<16xf32>
        %mul3A_183 = arith.constant 8.000000e+00 : f32
        %mul3A_184 = vector.broadcast %mul3A_183 : f32 to vector<16xf32>
        %mul3A_185 = arith.mulf %get3A_182, %mul3A_184 : vector<16xf32>
        %get3A_186 = arith.index_cast %mul3A_177 : i32 to index
        %get3A_187 = arith.constant 0 : index
        %get3A_188 = tpu.vector_load %arg13[%get3A_186, %get3A_187] {strides = array<i32>} : memref<200x64xf32, #tpu.memory_space<vmem>>, vector<1x16xf32>,
        %get3A_189 = vector.shape_cast %get3A_188 : vector<1x16xf32> to vector<16xf32>
        %add3A_190 = arith.addf %mul3A_185, %get3A_189 : vector<16xf32>
        %swap3A = arith.index_cast %mul3A_177 : i32 to index
        %swap3A_191 = arith.constant 0 : index
        %swap3A_192 = tpu.vector_load %arg11[%swap3A, %swap3A_191] {strides = array<i32>} : memref<200x64xf32, #tpu.memory_space<vmem>>, vector<1x16xf32>,
        %swap3A_193 = vector.shape_cast %swap3A_192 : vector<1x16xf32> to vector<16xf32>
        %swap3A_194 = vector.shape_cast %add3A_190 : vector<16xf32> to vector<1x16xf32>
        tpu.vector_store %arg11[%swap3A, %swap3A_191], %swap3A_194 {strides = array<i32>} : memref<200x64xf32, #tpu.memory_space<vmem>>, vector<1x16xf32>,
        %get3A_195 = arith.index_cast %mul3A_177 : i32 to index
        %get3A_196 = arith.constant 16 : index
        %get3A_197 = tpu.vector_load %arg9[%get3A_195, %get3A_196] {strides = array<i32>} : memref<200x64xf32, #tpu.memory_space<vmem>>, vector<1x16xf32>,
        %get3A_198 = vector.shape_cast %get3A_197 : vector<1x16xf32> to vector<16xf32>
        %mul3A_199 = arith.constant 8.000000e+00 : f32
        %mul3A_200 = vector.broadcast %mul3A_199 : f32 to vector<16xf32>
        %mul3A_201 = arith.mulf %get3A_198, %mul3A_200 : vector<16xf32>
        %get3A_202 = arith.index_cast %mul3A_177 : i32 to index
        %get3A_203 = arith.constant 16 : index
        %get3A_204 = tpu.vector_load %arg13[%get3A_202, %get3A_203] {strides = array<i32>} : memref<200x64xf32, #tpu.memory_space<vmem>>, vector<1x16xf32>,
        %get3A_205 = vector.shape_cast %get3A_204 : vector<1x16xf32> to vector<16xf32>
        %add3A_206 = arith.addf %mul3A_201, %get3A_205 : vector<16xf32>
        %swap3A_207 = arith.index_cast %mul3A_177 : i32 to index
        %swap3A_208 = arith.constant 16 : index
        %swap3A_209 = tpu.vector_load %arg11[%swap3A_207, %swap3A_208] {strides = array<i32>} : memref<200x64xf32, #tpu.memory_space<vmem>>, vector<1x16xf32>,
        %swap3A_210 = vector.shape_cast %swap3A_209 : vector<1x16xf32> to vector<16xf32>
        %swap3A_211 = vector.shape_cast %add3A_206 : vector<16xf32> to vector<1x16xf32>
        tpu.vector_store %arg11[%swap3A_207, %swap3A_208], %swap3A_211 {strides = array<i32>} : memref<200x64xf32, #tpu.memory_space<vmem>>, vector<1x16xf32>,
        %get3A_212 = arith.index_cast %mul3A_177 : i32 to index
        %get3A_213 = arith.constant 32 : index
        %get3A_214 = tpu.vector_load %arg9[%get3A_212, %get3A_213] {strides = array<i32>} : memref<200x64xf32, #tpu.memory_space<vmem>>, vector<1x16xf32>,
        %get3A_215 = vector.shape_cast %get3A_214 : vector<1x16xf32> to vector<16xf32>
        %mul3A_216 = arith.constant 8.000000e+00 : f32
        %mul3A_217 = vector.broadcast %mul3A_216 : f32 to vector<16xf32>
        %mul3A_218 = arith.mulf %get3A_215, %mul3A_217 : vector<16xf32>
        %get3A_219 = arith.index_cast %mul3A_177 : i32 to index
        %get3A_220 = arith.constant 32 : index
        %get3A_221 = tpu.vector_load %arg13[%get3A_219, %get3A_220] {strides = array<i32>} : memref<200x64xf32, #tpu.memory_space<vmem>>, vector<1x16xf32>,
        %get3A_222 = vector.shape_cast %get3A_221 : vector<1x16xf32> to vector<16xf32>
        %add3A_223 = arith.addf %mul3A_218, %get3A_222 : vector<16xf32>
        %swap3A_224 = arith.index_cast %mul3A_177 : i32 to index
        %swap3A_225 = arith.constant 32 : index
        %swap3A_226 = tpu.vector_load %arg11[%swap3A_224, %swap3A_225] {strides = array<i32>} : memref<200x64xf32, #tpu.memory_space<vmem>>, vector<1x16xf32>,
        %swap3A_227 = vector.shape_cast %swap3A_226 : vector<1x16xf32> to vector<16xf32>
        %swap3A_228 = vector.shape_cast %add3A_223 : vector<16xf32> to vector<1x16xf32>
        tpu.vector_store %arg11[%swap3A_224, %swap3A_225], %swap3A_228 {strides = array<i32>} : memref<200x64xf32, #tpu.memory_space<vmem>>, vector<1x16xf32>,
        %get3A_229 = arith.index_cast %mul3A_177 : i32 to index
        %get3A_230 = arith.constant 48 : index
        %get3A_231 = tpu.vector_load %arg9[%get3A_229, %get3A_230] {strides = array<i32>} : memref<200x64xf32, #tpu.memory_space<vmem>>, vector<1x16xf32>,
        %get3A_232 = vector.shape_cast %get3A_231 : vector<1x16xf32> to vector<16xf32>
        %mul3A_233 = arith.constant 8.000000e+00 : f32
        %mul3A_234 = vector.broadcast %mul3A_233 : f32 to vector<16xf32>
        %mul3A_235 = arith.mulf %get3A_232, %mul3A_234 : vector<16xf32>
        %get3A_236 = arith.index_cast %mul3A_177 : i32 to index
        %get3A_237 = arith.constant 48 : index
        %get3A_238 = tpu.vector_load %arg13[%get3A_236, %get3A_237] {strides = array<i32>} : memref<200x64xf32, #tpu.memory_space<vmem>>, vector<1x16xf32>,
        %get3A_239 = vector.shape_cast %get3A_238 : vector<1x16xf32> to vector<16xf32>
        %add3A_240 = arith.addf %mul3A_235, %get3A_239 : vector<16xf32>
        %swap3A_241 = arith.index_cast %mul3A_177 : i32 to index
        %swap3A_242 = arith.constant 48 : index
        %swap3A_243 = tpu.vector_load %arg11[%swap3A_241, %swap3A_242] {strides = array<i32>} : memref<200x64xf32, #tpu.memory_space<vmem>>, vector<1x16xf32>,
        %swap3A_244 = vector.shape_cast %swap3A_243 : vector<1x16xf32> to vector<16xf32>
        %swap3A_245 = vector.shape_cast %add3A_240 : vector<16xf32> to vector<1x16xf32>
        tpu.vector_store %arg11[%swap3A_241, %swap3A_242], %swap3A_245 {strides = array<i32>} : memref<200x64xf32, #tpu.memory_space<vmem>>, vector<1x16xf32>,
        %get3A_246 = arith.index_cast %add3A_179 : i32 to index
        %get3A_247 = arith.constant 0 : index
        %get3A_248 = tpu.vector_load %arg9[%get3A_246, %get3A_247] {strides = array<i32>} : memref<200x64xf32, #tpu.memory_space<vmem>>, vector<1x16xf32>,
        %get3A_249 = vector.shape_cast %get3A_248 : vector<1x16xf32> to vector<16xf32>
        %mul3A_250 = arith.constant 8.000000e+00 : f32
        %mul3A_251 = vector.broadcast %mul3A_250 : f32 to vector<16xf32>
        %mul3A_252 = arith.mulf %get3A_249, %mul3A_251 : vector<16xf32>
        %get3A_253 = arith.index_cast %add3A_179 : i32 to index
        %get3A_254 = arith.constant 0 : index
        %get3A_255 = tpu.vector_load %arg13[%get3A_253, %get3A_254] {strides = array<i32>} : memref<200x64xf32, #tpu.memory_space<vmem>>, vector<1x16xf32>,
        %get3A_256 = vector.shape_cast %get3A_255 : vector<1x16xf32> to vector<16xf32>
        %add3A_257 = arith.addf %mul3A_252, %get3A_256 : vector<16xf32>
        %swap3A_258 = arith.index_cast %add3A_179 : i32 to index
        %swap3A_259 = arith.constant 0 : index
        %swap3A_260 = tpu.vector_load %arg11[%swap3A_258, %swap3A_259] {strides = array<i32>} : memref<200x64xf32, #tpu.memory_space<vmem>>, vector<1x16xf32>,
        %swap3A_261 = vector.shape_cast %swap3A_260 : vector<1x16xf32> to vector<16xf32>
        %swap3A_262 = vector.shape_cast %add3A_257 : vector<16xf32> to vector<1x16xf32>
        tpu.vector_store %arg11[%swap3A_258, %swap3A_259], %swap3A_262 {strides = array<i32>} : memref<200x64xf32, #tpu.memory_space<vmem>>, vector<1x16xf32>,
        %get3A_263 = arith.index_cast %add3A_179 : i32 to index
        %get3A_264 = arith.constant 16 : index
        %get3A_265 = tpu.vector_load %arg9[%get3A_263, %get3A_264] {strides = array<i32>} : memref<200x64xf32, #tpu.memory_space<vmem>>, vector<1x16xf32>,
        %get3A_266 = vector.shape_cast %get3A_265 : vector<1x16xf32> to vector<16xf32>
        %mul3A_267 = arith.constant 8.000000e+00 : f32
        %mul3A_268 = vector.broadcast %mul3A_267 : f32 to vector<16xf32>
        %mul3A_269 = arith.mulf %get3A_266, %mul3A_268 : vector<16xf32>
        %get3A_270 = arith.index_cast %add3A_179 : i32 to index
        %get3A_271 = arith.constant 16 : index
        %get3A_272 = tpu.vector_load %arg13[%get3A_270, %get3A_271] {strides = array<i32>} : memref<200x64xf32, #tpu.memory_space<vmem>>, vector<1x16xf32>,
        %get3A_273 = vector.shape_cast %get3A_272 : vector<1x16xf32> to vector<16xf32>
        %add3A_274 = arith.addf %mul3A_269, %get3A_273 : vector<16xf32>
        %swap3A_275 = arith.index_cast %add3A_179 : i32 to index
        %swap3A_276 = arith.constant 16 : index
        %swap3A_277 = tpu.vector_load %arg11[%swap3A_275, %swap3A_276] {strides = array<i32>} : memref<200x64xf32, #tpu.memory_space<vmem>>, vector<1x16xf32>,
        %swap3A_278 = vector.shape_cast %swap3A_277 : vector<1x16xf32> to vector<16xf32>
        %swap3A_279 = vector.shape_cast %add3A_274 : vector<16xf32> to vector<1x16xf32>
        tpu.vector_store %arg11[%swap3A_275, %swap3A_276], %swap3A_279 {strides = array<i32>} : memref<200x64xf32, #tpu.memory_space<vmem>>, vector<1x16xf32>,
        %get3A_280 = arith.index_cast %add3A_179 : i32 to index
        %get3A_281 = arith.constant 32 : index
        %get3A_282 = tpu.vector_load %arg9[%get3A_280, %get3A_281] {strides = array<i32>} : memref<200x64xf32, #tpu.memory_space<vmem>>, vector<1x16xf32>,
        %get3A_283 = vector.shape_cast %get3A_282 : vector<1x16xf32> to vector<16xf32>
        %mul3A_284 = arith.constant 8.000000e+00 : f32
        %mul3A_285 = vector.broadcast %mul3A_284 : f32 to vector<16xf32>
        %mul3A_286 = arith.mulf %get3A_283, %mul3A_285 : vector<16xf32>
        %get3A_287 = arith.index_cast %add3A_179 : i32 to index
        %get3A_288 = arith.constant 32 : index
        %get3A_289 = tpu.vector_load %arg13[%get3A_287, %get3A_288] {strides = array<i32>} : memref<200x64xf32, #tpu.memory_space<vmem>>, vector<1x16xf32>,
        %get3A_290 = vector.shape_cast %get3A_289 : vector<1x16xf32> to vector<16xf32>
        %add3A_291 = arith.addf %mul3A_286, %get3A_290 : vector<16xf32>
        %swap3A_292 = arith.index_cast %add3A_179 : i32 to index
        %swap3A_293 = arith.constant 32 : index
        %swap3A_294 = tpu.vector_load %arg11[%swap3A_292, %swap3A_293] {strides = array<i32>} : memref<200x64xf32, #tpu.memory_space<vmem>>, vector<1x16xf32>,
        %swap3A_295 = vector.shape_cast %swap3A_294 : vector<1x16xf32> to vector<16xf32>
        %swap3A_296 = vector.shape_cast %add3A_291 : vector<16xf32> to vector<1x16xf32>
        tpu.vector_store %arg11[%swap3A_292, %swap3A_293], %swap3A_296 {strides = array<i32>} : memref<200x64xf32, #tpu.memory_space<vmem>>, vector<1x16xf32>,
        %get3A_297 = arith.index_cast %add3A_179 : i32 to index
        %get3A_298 = arith.constant 48 : index
        %get3A_299 = tpu.vector_load %arg9[%get3A_297, %get3A_298] {strides = array<i32>} : memref<200x64xf32, #tpu.memory_space<vmem>>, vector<1x16xf32>,
        %get3A_300 = vector.shape_cast %get3A_299 : vector<1x16xf32> to vector<16xf32>
        %mul3A_301 = arith.constant 8.000000e+00 : f32
        %mul3A_302 = vector.broadcast %mul3A_301 : f32 to vector<16xf32>
        %mul3A_303 = arith.mulf %get3A_300, %mul3A_302 : vector<16xf32>
        %get3A_304 = arith.index_cast %add3A_179 : i32 to index
        %get3A_305 = arith.constant 48 : index
        %get3A_306 = tpu.vector_load %arg13[%get3A_304, %get3A_305] {strides = array<i32>} : memref<200x64xf32, #tpu.memory_space<vmem>>, vector<1x16xf32>,
        %get3A_307 = vector.shape_cast %get3A_306 : vector<1x16xf32> to vector<16xf32>
        %add3A_308 = arith.addf %mul3A_303, %get3A_307 : vector<16xf32>
        %swap3A_309 = arith.index_cast %add3A_179 : i32 to index
        %swap3A_310 = arith.constant 48 : index
        %swap3A_311 = tpu.vector_load %arg11[%swap3A_309, %swap3A_310] {strides = array<i32>} : memref<200x64xf32, #tpu.memory_space<vmem>>, vector<1x16xf32>,
        %swap3A_312 = vector.shape_cast %swap3A_311 : vector<1x16xf32> to vector<16xf32>
        %swap3A_313 = vector.shape_cast %add3A_308 : vector<16xf32> to vector<1x16xf32>
        tpu.vector_store %arg11[%swap3A_309, %swap3A_310], %swap3A_313 {strides = array<i32>} : memref<200x64xf32, #tpu.memory_space<vmem>>, vector<1x16xf32>,
      }
      %scan3A_128 = arith.constant 100 : i32
      %dma_start3A_129 = arith.constant 0 : i32
      %dma_start3A_130 = tpu.memref_slice %arg5[%add3A_111, %dma_start3A_129] : memref<819200x128xf32, #tpu.memory_space<hbm>> -> memref<200x64xf32, #tpu.memory_space<hbm>>
      %dma_start3A_131 = arith.constant 0 : i32
      %dma_start3A_132 = tpu.memref_slice %arg5[%add3A_111, %dma_start3A_131] : memref<819200x128xf32, #tpu.memory_space<hbm>> -> memref<200x64xf32, #tpu.memory_space<hbm>>
      tpu.enqueue_dma source(%arg11 : memref<200x64xf32, #tpu.memory_space<vmem>>) target(%dma_start3A_132 : memref<200x64xf32, #tpu.memory_space<hbm>>) target_semaphore(%arg18 : memref<!tpu.dma_semaphore, #tpu.memory_space<semaphore_mem>>)
      %add3A_133 = arith.constant 4 : i32
      %add3A_134 = arith.addi %add3A_108, %add3A_133 : i32
      %lt3A_135 = arith.constant 128 : i32
      %lt3A_136 = arith.cmpi slt, %add3A_134, %lt3A_135 : i32
      %convert_element_type3A_137 = arith.extui %lt3A_136 : i1 to i32
      %cond3A_138 = arith.constant 0 : i32
      %cond3A_139 = arith.cmpi ne, %convert_element_type3A_137, %cond3A_138 : i32
      scf.if %cond3A_139 {
        %mul3A_175 = arith.constant 200 : i32
        %mul3A_176 = arith.muli %add3A_134, %mul3A_175 : i32
        %dma_start3A_177 = tpu.memref_slice %arg6[%mul3A_176] : memref<25600xi32, #tpu.memory_space<vmem>> -> memref<200xi32, #tpu.memory_space<vmem>>
        %dma_start3A_178 = arith.constant 0 : i32
        %dma_start3A_179 = arith.constant 0 : i32
        %dma_start3A_180 = tpu.memref_slice %arg3[%dma_start3A_178, %dma_start3A_179] : memref<1000000x64xf32, #tpu.memory_space<hbm>> -> memref<1000000x64xf32, #tpu.memory_space<hbm>>
        tpu.enqueue_indirect_dma source(%dma_start3A_180 : memref<1000000x64xf32, #tpu.memory_space<hbm>>) target(%arg9 : memref<200x64xf32, #tpu.memory_space<vmem>>) offsets(%dma_start3A_177 : memref<200xi32, #tpu.memory_space<vmem>>) semaphore(%arg16 : memref<!tpu.dma_semaphore, #tpu.memory_space<semaphore_mem>>)
      } else {
      }
      %mul3A_140 = arith.constant 4 : i32
      %mul3A_141 = arith.muli %scan3A_38, %mul3A_140 : i32
      %add3A_142 = arith.constant 3 : i32
      %add3A_143 = arith.addi %mul3A_141, %add3A_142 : i32
      %mul3A_144 = arith.constant 200 : i32
      %mul3A_145 = arith.muli %add3A_143, %mul3A_144 : i32
      %add3A_146 = arith.addi %mul3A_2, %mul3A_145 : i32
      %mul3A_147 = arith.constant 200 : i32
      %mul3A_148 = arith.muli %add3A_143, %mul3A_147 : i32
      %dma_wait3A_149 = tpu.memref_slice %arg6[%mul3A_148] : memref<25600xi32, #tpu.memory_space<vmem>> -> memref<200xi32, #tpu.memory_space<vmem>>
      %dma_wait3A_150 = arith.constant 0 : i32
      %dma_wait3A_151 = arith.constant 0 : i32
      %dma_wait3A_152 = tpu.memref_slice %arg3[%dma_wait3A_150, %dma_wait3A_151] : memref<1000000x64xf32, #tpu.memory_space<hbm>> -> memref<1000000x64xf32, #tpu.memory_space<hbm>>
      tpu.wait_indirect_dma semaphore(%arg17 : memref<!tpu.dma_semaphore, #tpu.memory_space<semaphore_mem>>) src(%dma_wait3A_152 : memref<1000000x64xf32, #tpu.memory_space<hbm>>) dst(%arg10 : memref<200x64xf32, #tpu.memory_space<vmem>>)
      %ge3A_153 = arith.constant 2 : i32
      %ge3A_154 = arith.cmpi sge, %add3A_143, %ge3A_153 : i32
      %convert_element_type3A_155 = arith.extui %ge3A_154 : i1 to i32
      %cond3A_156 = arith.constant 0 : i32
      %cond3A_157 = arith.cmpi ne, %convert_element_type3A_155, %cond3A_156 : i32
      scf.if %cond3A_157 {
        %sub3A = arith.constant 400 : i32
        %sub3A_175 = arith.subi %add3A_146, %sub3A : i32
        %dma_wait3A_176 = arith.constant 0 : i32
        %dma_wait3A_177 = tpu.memref_slice %arg5[%sub3A_175, %dma_wait3A_176] : memref<819200x128xf32, #tpu.memory_space<hbm>> -> memref<200x64xf32, #tpu.memory_space<hbm>>
        %dma_wait3A_178 = arith.constant 0 : i32
        %dma_wait3A_179 = tpu.memref_slice %arg5[%sub3A_175, %dma_wait3A_178] : memref<819200x128xf32, #tpu.memory_space<hbm>> -> memref<200x64xf32, #tpu.memory_space<hbm>>
        tpu.wait_dma2 semaphore(%arg19 : memref<!tpu.dma_semaphore, #tpu.memory_space<semaphore_mem>>) src(%arg12 : memref<200x64xf32, #tpu.memory_space<vmem>>) dst(%dma_wait3A_179 : memref<200x64xf32, #tpu.memory_space<hbm>>)
      } else {
      }
      %scan3A_158 = arith.constant 0 : i32
      %scan3A_159 = arith.constant 0 : i32
      %scan3A_160 = arith.constant 100 : i32
      %scan3A_161 = arith.addi %scan3A_159, %scan3A_160 : i32
      %scan3A_162 = arith.constant 1 : i32
      scf.for %scan3A_175 = %scan3A_159 to %scan3A_161 step %scan3A_162  : i32 {
        %mul3A_176 = arith.constant 2 : i32
        %mul3A_177 = arith.muli %scan3A_175, %mul3A_176 : i32
        %add3A_178 = arith.constant 1 : i32
        %add3A_179 = arith.addi %mul3A_177, %add3A_178 : i32
        %get3A = arith.index_cast %mul3A_177 : i32 to index
        %get3A_180 = arith.constant 0 : index
        %get3A_181 = tpu.vector_load %arg10[%get3A, %get3A_180] {strides = array<i32>} : memref<200x64xf32, #tpu.memory_space<vmem>>, vector<1x16xf32>,
        %get3A_182 = vector.shape_cast %get3A_181 : vector<1x16xf32> to vector<16xf32>
        %mul3A_183 = arith.constant 8.000000e+00 : f32
        %mul3A_184 = vector.broadcast %mul3A_183 : f32 to vector<16xf32>
        %mul3A_185 = arith.mulf %get3A_182, %mul3A_184 : vector<16xf32>
        %get3A_186 = arith.index_cast %mul3A_177 : i32 to index
        %get3A_187 = arith.constant 0 : index
        %get3A_188 = tpu.vector_load %arg13[%get3A_186, %get3A_187] {strides = array<i32>} : memref<200x64xf32, #tpu.memory_space<vmem>>, vector<1x16xf32>,
        %get3A_189 = vector.shape_cast %get3A_188 : vector<1x16xf32> to vector<16xf32>
        %add3A_190 = arith.addf %mul3A_185, %get3A_189 : vector<16xf32>
        %swap3A = arith.index_cast %mul3A_177 : i32 to index
        %swap3A_191 = arith.constant 0 : index
        %swap3A_192 = tpu.vector_load %arg12[%swap3A, %swap3A_191] {strides = array<i32>} : memref<200x64xf32, #tpu.memory_space<vmem>>, vector<1x16xf32>,
        %swap3A_193 = vector.shape_cast %swap3A_192 : vector<1x16xf32> to vector<16xf32>
        %swap3A_194 = vector.shape_cast %add3A_190 : vector<16xf32> to vector<1x16xf32>
        tpu.vector_store %arg12[%swap3A, %swap3A_191], %swap3A_194 {strides = array<i32>} : memref<200x64xf32, #tpu.memory_space<vmem>>, vector<1x16xf32>,
        %get3A_195 = arith.index_cast %mul3A_177 : i32 to index
        %get3A_196 = arith.constant 16 : index
        %get3A_197 = tpu.vector_load %arg10[%get3A_195, %get3A_196] {strides = array<i32>} : memref<200x64xf32, #tpu.memory_space<vmem>>, vector<1x16xf32>,
        %get3A_198 = vector.shape_cast %get3A_197 : vector<1x16xf32> to vector<16xf32>
        %mul3A_199 = arith.constant 8.000000e+00 : f32
        %mul3A_200 = vector.broadcast %mul3A_199 : f32 to vector<16xf32>
        %mul3A_201 = arith.mulf %get3A_198, %mul3A_200 : vector<16xf32>
        %get3A_202 = arith.index_cast %mul3A_177 : i32 to index
        %get3A_203 = arith.constant 16 : index
        %get3A_204 = tpu.vector_load %arg13[%get3A_202, %get3A_203] {strides = array<i32>} : memref<200x64xf32, #tpu.memory_space<vmem>>, vector<1x16xf32>,
        %get3A_205 = vector.shape_cast %get3A_204 : vector<1x16xf32> to vector<16xf32>
        %add3A_206 = arith.addf %mul3A_201, %get3A_205 : vector<16xf32>
        %swap3A_207 = arith.index_cast %mul3A_177 : i32 to index
        %swap3A_208 = arith.constant 16 : index
        %swap3A_209 = tpu.vector_load %arg12[%swap3A_207, %swap3A_208] {strides = array<i32>} : memref<200x64xf32, #tpu.memory_space<vmem>>, vector<1x16xf32>,
        %swap3A_210 = vector.shape_cast %swap3A_209 : vector<1x16xf32> to vector<16xf32>
        %swap3A_211 = vector.shape_cast %add3A_206 : vector<16xf32> to vector<1x16xf32>
        tpu.vector_store %arg12[%swap3A_207, %swap3A_208], %swap3A_211 {strides = array<i32>} : memref<200x64xf32, #tpu.memory_space<vmem>>, vector<1x16xf32>,
        %get3A_212 = arith.index_cast %mul3A_177 : i32 to index
        %get3A_213 = arith.constant 32 : index
        %get3A_214 = tpu.vector_load %arg10[%get3A_212, %get3A_213] {strides = array<i32>} : memref<200x64xf32, #tpu.memory_space<vmem>>, vector<1x16xf32>,
        %get3A_215 = vector.shape_cast %get3A_214 : vector<1x16xf32> to vector<16xf32>
        %mul3A_216 = arith.constant 8.000000e+00 : f32
        %mul3A_217 = vector.broadcast %mul3A_216 : f32 to vector<16xf32>
        %mul3A_218 = arith.mulf %get3A_215, %mul3A_217 : vector<16xf32>
        %get3A_219 = arith.index_cast %mul3A_177 : i32 to index
        %get3A_220 = arith.constant 32 : index
        %get3A_221 = tpu.vector_load %arg13[%get3A_219, %get3A_220] {strides = array<i32>} : memref<200x64xf32, #tpu.memory_space<vmem>>, vector<1x16xf32>,
        %get3A_222 = vector.shape_cast %get3A_221 : vector<1x16xf32> to vector<16xf32>
        %add3A_223 = arith.addf %mul3A_218, %get3A_222 : vector<16xf32>
        %swap3A_224 = arith.index_cast %mul3A_177 : i32 to index
        %swap3A_225 = arith.constant 32 : index
        %swap3A_226 = tpu.vector_load %arg12[%swap3A_224, %swap3A_225] {strides = array<i32>} : memref<200x64xf32, #tpu.memory_space<vmem>>, vector<1x16xf32>,
        %swap3A_227 = vector.shape_cast %swap3A_226 : vector<1x16xf32> to vector<16xf32>
        %swap3A_228 = vector.shape_cast %add3A_223 : vector<16xf32> to vector<1x16xf32>
        tpu.vector_store %arg12[%swap3A_224, %swap3A_225], %swap3A_228 {strides = array<i32>} : memref<200x64xf32, #tpu.memory_space<vmem>>, vector<1x16xf32>,
        %get3A_229 = arith.index_cast %mul3A_177 : i32 to index
        %get3A_230 = arith.constant 48 : index
        %get3A_231 = tpu.vector_load %arg10[%get3A_229, %get3A_230] {strides = array<i32>} : memref<200x64xf32, #tpu.memory_space<vmem>>, vector<1x16xf32>,
        %get3A_232 = vector.shape_cast %get3A_231 : vector<1x16xf32> to vector<16xf32>
        %mul3A_233 = arith.constant 8.000000e+00 : f32
        %mul3A_234 = vector.broadcast %mul3A_233 : f32 to vector<16xf32>
        %mul3A_235 = arith.mulf %get3A_232, %mul3A_234 : vector<16xf32>
        %get3A_236 = arith.index_cast %mul3A_177 : i32 to index
        %get3A_237 = arith.constant 48 : index
        %get3A_238 = tpu.vector_load %arg13[%get3A_236, %get3A_237] {strides = array<i32>} : memref<200x64xf32, #tpu.memory_space<vmem>>, vector<1x16xf32>,
        %get3A_239 = vector.shape_cast %get3A_238 : vector<1x16xf32> to vector<16xf32>
        %add3A_240 = arith.addf %mul3A_235, %get3A_239 : vector<16xf32>
        %swap3A_241 = arith.index_cast %mul3A_177 : i32 to index
        %swap3A_242 = arith.constant 48 : index
        %swap3A_243 = tpu.vector_load %arg12[%swap3A_241, %swap3A_242] {strides = array<i32>} : memref<200x64xf32, #tpu.memory_space<vmem>>, vector<1x16xf32>,
        %swap3A_244 = vector.shape_cast %swap3A_243 : vector<1x16xf32> to vector<16xf32>
        %swap3A_245 = vector.shape_cast %add3A_240 : vector<16xf32> to vector<1x16xf32>
        tpu.vector_store %arg12[%swap3A_241, %swap3A_242], %swap3A_245 {strides = array<i32>} : memref<200x64xf32, #tpu.memory_space<vmem>>, vector<1x16xf32>,
        %get3A_246 = arith.index_cast %add3A_179 : i32 to index
        %get3A_247 = arith.constant 0 : index
        %get3A_248 = tpu.vector_load %arg10[%get3A_246, %get3A_247] {strides = array<i32>} : memref<200x64xf32, #tpu.memory_space<vmem>>, vector<1x16xf32>,
        %get3A_249 = vector.shape_cast %get3A_248 : vector<1x16xf32> to vector<16xf32>
        %mul3A_250 = arith.constant 8.000000e+00 : f32
        %mul3A_251 = vector.broadcast %mul3A_250 : f32 to vector<16xf32>
        %mul3A_252 = arith.mulf %get3A_249, %mul3A_251 : vector<16xf32>
        %get3A_253 = arith.index_cast %add3A_179 : i32 to index
        %get3A_254 = arith.constant 0 : index
        %get3A_255 = tpu.vector_load %arg13[%get3A_253, %get3A_254] {strides = array<i32>} : memref<200x64xf32, #tpu.memory_space<vmem>>, vector<1x16xf32>,
        %get3A_256 = vector.shape_cast %get3A_255 : vector<1x16xf32> to vector<16xf32>
        %add3A_257 = arith.addf %mul3A_252, %get3A_256 : vector<16xf32>
        %swap3A_258 = arith.index_cast %add3A_179 : i32 to index
        %swap3A_259 = arith.constant 0 : index
        %swap3A_260 = tpu.vector_load %arg12[%swap3A_258, %swap3A_259] {strides = array<i32>} : memref<200x64xf32, #tpu.memory_space<vmem>>, vector<1x16xf32>,
        %swap3A_261 = vector.shape_cast %swap3A_260 : vector<1x16xf32> to vector<16xf32>
        %swap3A_262 = vector.shape_cast %add3A_257 : vector<16xf32> to vector<1x16xf32>
        tpu.vector_store %arg12[%swap3A_258, %swap3A_259], %swap3A_262 {strides = array<i32>} : memref<200x64xf32, #tpu.memory_space<vmem>>, vector<1x16xf32>,
        %get3A_263 = arith.index_cast %add3A_179 : i32 to index
        %get3A_264 = arith.constant 16 : index
        %get3A_265 = tpu.vector_load %arg10[%get3A_263, %get3A_264] {strides = array<i32>} : memref<200x64xf32, #tpu.memory_space<vmem>>, vector<1x16xf32>,
        %get3A_266 = vector.shape_cast %get3A_265 : vector<1x16xf32> to vector<16xf32>
        %mul3A_267 = arith.constant 8.000000e+00 : f32
        %mul3A_268 = vector.broadcast %mul3A_267 : f32 to vector<16xf32>
        %mul3A_269 = arith.mulf %get3A_266, %mul3A_268 : vector<16xf32>
        %get3A_270 = arith.index_cast %add3A_179 : i32 to index
        %get3A_271 = arith.constant 16 : index
        %get3A_272 = tpu.vector_load %arg13[%get3A_270, %get3A_271] {strides = array<i32>} : memref<200x64xf32, #tpu.memory_space<vmem>>, vector<1x16xf32>,
        %get3A_273 = vector.shape_cast %get3A_272 : vector<1x16xf32> to vector<16xf32>
        %add3A_274 = arith.addf %mul3A_269, %get3A_273 : vector<16xf32>
        %swap3A_275 = arith.index_cast %add3A_179 : i32 to index
        %swap3A_276 = arith.constant 16 : index
        %swap3A_277 = tpu.vector_load %arg12[%swap3A_275, %swap3A_276] {strides = array<i32>} : memref<200x64xf32, #tpu.memory_space<vmem>>, vector<1x16xf32>,
        %swap3A_278 = vector.shape_cast %swap3A_277 : vector<1x16xf32> to vector<16xf32>
        %swap3A_279 = vector.shape_cast %add3A_274 : vector<16xf32> to vector<1x16xf32>
        tpu.vector_store %arg12[%swap3A_275, %swap3A_276], %swap3A_279 {strides = array<i32>} : memref<200x64xf32, #tpu.memory_space<vmem>>, vector<1x16xf32>,
        %get3A_280 = arith.index_cast %add3A_179 : i32 to index
        %get3A_281 = arith.constant 32 : index
        %get3A_282 = tpu.vector_load %arg10[%get3A_280, %get3A_281] {strides = array<i32>} : memref<200x64xf32, #tpu.memory_space<vmem>>, vector<1x16xf32>,
        %get3A_283 = vector.shape_cast %get3A_282 : vector<1x16xf32> to vector<16xf32>
        %mul3A_284 = arith.constant 8.000000e+00 : f32
        %mul3A_285 = vector.broadcast %mul3A_284 : f32 to vector<16xf32>
        %mul3A_286 = arith.mulf %get3A_283, %mul3A_285 : vector<16xf32>
        %get3A_287 = arith.index_cast %add3A_179 : i32 to index
        %get3A_288 = arith.constant 32 : index
        %get3A_289 = tpu.vector_load %arg13[%get3A_287, %get3A_288] {strides = array<i32>} : memref<200x64xf32, #tpu.memory_space<vmem>>, vector<1x16xf32>,
        %get3A_290 = vector.shape_cast %get3A_289 : vector<1x16xf32> to vector<16xf32>
        %add3A_291 = arith.addf %mul3A_286, %get3A_290 : vector<16xf32>
        %swap3A_292 = arith.index_cast %add3A_179 : i32 to index
        %swap3A_293 = arith.constant 32 : index
        %swap3A_294 = tpu.vector_load %arg12[%swap3A_292, %swap3A_293] {strides = array<i32>} : memref<200x64xf32, #tpu.memory_space<vmem>>, vector<1x16xf32>,
        %swap3A_295 = vector.shape_cast %swap3A_294 : vector<1x16xf32> to vector<16xf32>
        %swap3A_296 = vector.shape_cast %add3A_291 : vector<16xf32> to vector<1x16xf32>
        tpu.vector_store %arg12[%swap3A_292, %swap3A_293], %swap3A_296 {strides = array<i32>} : memref<200x64xf32, #tpu.memory_space<vmem>>, vector<1x16xf32>,
        %get3A_297 = arith.index_cast %add3A_179 : i32 to index
        %get3A_298 = arith.constant 48 : index
        %get3A_299 = tpu.vector_load %arg10[%get3A_297, %get3A_298] {strides = array<i32>} : memref<200x64xf32, #tpu.memory_space<vmem>>, vector<1x16xf32>,
        %get3A_300 = vector.shape_cast %get3A_299 : vector<1x16xf32> to vector<16xf32>
        %mul3A_301 = arith.constant 8.000000e+00 : f32
        %mul3A_302 = vector.broadcast %mul3A_301 : f32 to vector<16xf32>
        %mul3A_303 = arith.mulf %get3A_300, %mul3A_302 : vector<16xf32>
        %get3A_304 = arith.index_cast %add3A_179 : i32 to index
        %get3A_305 = arith.constant 48 : index
        %get3A_306 = tpu.vector_load %arg13[%get3A_304, %get3A_305] {strides = array<i32>} : memref<200x64xf32, #tpu.memory_space<vmem>>, vector<1x16xf32>,
        %get3A_307 = vector.shape_cast %get3A_306 : vector<1x16xf32> to vector<16xf32>
        %add3A_308 = arith.addf %mul3A_303, %get3A_307 : vector<16xf32>
        %swap3A_309 = arith.index_cast %add3A_179 : i32 to index
        %swap3A_310 = arith.constant 48 : index
        %swap3A_311 = tpu.vector_load %arg12[%swap3A_309, %swap3A_310] {strides = array<i32>} : memref<200x64xf32, #tpu.memory_space<vmem>>, vector<1x16xf32>,
        %swap3A_312 = vector.shape_cast %swap3A_311 : vector<1x16xf32> to vector<16xf32>
        %swap3A_313 = vector.shape_cast %add3A_308 : vector<16xf32> to vector<1x16xf32>
        tpu.vector_store %arg12[%swap3A_309, %swap3A_310], %swap3A_313 {strides = array<i32>} : memref<200x64xf32, #tpu.memory_space<vmem>>, vector<1x16xf32>,
      }
      %scan3A_163 = arith.constant 100 : i32
      %dma_start3A_164 = arith.constant 0 : i32
      %dma_start3A_165 = tpu.memref_slice %arg5[%add3A_146, %dma_start3A_164] : memref<819200x128xf32, #tpu.memory_space<hbm>> -> memref<200x64xf32, #tpu.memory_space<hbm>>
      %dma_start3A_166 = arith.constant 0 : i32
      %dma_start3A_167 = tpu.memref_slice %arg5[%add3A_146, %dma_start3A_166] : memref<819200x128xf32, #tpu.memory_space<hbm>> -> memref<200x64xf32, #tpu.memory_space<hbm>>
      tpu.enqueue_dma source(%arg12 : memref<200x64xf32, #tpu.memory_space<vmem>>) target(%dma_start3A_167 : memref<200x64xf32, #tpu.memory_space<hbm>>) target_semaphore(%arg19 : memref<!tpu.dma_semaphore, #tpu.memory_space<semaphore_mem>>)
      %add3A_168 = arith.constant 4 : i32
      %add3A_169 = arith.addi %add3A_143, %add3A_168 : i32
      %lt3A_170 = arith.constant 128 : i32
      %lt3A_171 = arith.cmpi slt, %add3A_169, %lt3A_170 : i32
      %convert_element_type3A_172 = arith.extui %lt3A_171 : i1 to i32
      %cond3A_173 = arith.constant 0 : i32
      %cond3A_174 = arith.cmpi ne, %convert_element_type3A_172, %cond3A_173 : i32
      scf.if %cond3A_174 {
        %mul3A_175 = arith.constant 200 : i32
        %mul3A_176 = arith.muli %add3A_169, %mul3A_175 : i32
        %dma_start3A_177 = tpu.memref_slice %arg6[%mul3A_176] : memref<25600xi32, #tpu.memory_space<vmem>> -> memref<200xi32, #tpu.memory_space<vmem>>
        %dma_start3A_178 = arith.constant 0 : i32
        %dma_start3A_179 = arith.constant 0 : i32
        %dma_start3A_180 = tpu.memref_slice %arg3[%dma_start3A_178, %dma_start3A_179] : memref<1000000x64xf32, #tpu.memory_space<hbm>> -> memref<1000000x64xf32, #tpu.memory_space<hbm>>
        tpu.enqueue_indirect_dma source(%dma_start3A_180 : memref<1000000x64xf32, #tpu.memory_space<hbm>>) target(%arg10 : memref<200x64xf32, #tpu.memory_space<vmem>>) offsets(%dma_start3A_177 : memref<200xi32, #tpu.memory_space<vmem>>) semaphore(%arg17 : memref<!tpu.dma_semaphore, #tpu.memory_space<semaphore_mem>>)
      } else {
      }
    }
    %scan3A_26 = arith.constant 32 : i32
    %add3A_27 = arith.constant 25200 : i32
    %add3A_28 = arith.addi %mul3A_2, %add3A_27 : i32
    %dma_wait3A = arith.constant 0 : i32
    %dma_wait3A_29 = tpu.memref_slice %arg5[%add3A_28, %dma_wait3A] : memref<819200x128xf32, #tpu.memory_space<hbm>> -> memref<200x64xf32, #tpu.memory_space<hbm>>
    %dma_wait3A_30 = arith.constant 0 : i32
    %dma_wait3A_31 = tpu.memref_slice %arg5[%add3A_28, %dma_wait3A_30] : memref<819200x128xf32, #tpu.memory_space<hbm>> -> memref<200x64xf32, #tpu.memory_space<hbm>>
    tpu.wait_dma2 semaphore(%arg18 : memref<!tpu.dma_semaphore, #tpu.memory_space<semaphore_mem>>) src(%arg11 : memref<200x64xf32, #tpu.memory_space<vmem>>) dst(%dma_wait3A_31 : memref<200x64xf32, #tpu.memory_space<hbm>>)
    %add3A_32 = arith.constant 25400 : i32
    %add3A_33 = arith.addi %mul3A_2, %add3A_32 : i32
    %dma_wait3A_34 = arith.constant 0 : i32
    %dma_wait3A_35 = tpu.memref_slice %arg5[%add3A_33, %dma_wait3A_34] : memref<819200x128xf32, #tpu.memory_space<hbm>> -> memref<200x64xf32, #tpu.memory_space<hbm>>
    %dma_wait3A_36 = arith.constant 0 : i32
    %dma_wait3A_37 = tpu.memref_slice %arg5[%add3A_33, %dma_wait3A_36] : memref<819200x128xf32, #tpu.memory_space<hbm>> -> memref<200x64xf32, #tpu.memory_space<hbm>>
    tpu.wait_dma2 semaphore(%arg19 : memref<!tpu.dma_semaphore, #tpu.memory_space<semaphore_mem>>) src(%arg12 : memref<200x64xf32, #tpu.memory_space<vmem>>) dst(%dma_wait3A_37 : memref<200x64xf32, #tpu.memory_space<hbm>>)
    return
  }
}

</mosaic_0001>

<sc_bundles>
// kernel: kernel.3.cloned.1.call-start
scs
__scs_entry_jumppad:
0x0: {  	(pc) =	sbr.rel $0x88, $3  }
0x1: {  	(tag) =	ssettag $0x0;
	lr =	simm.s32 $0x1  }
0x2: {  	[smem:$0x3F9E] =	sst lr;
	_ =	strace $0xD0000000  }
0x3: {  	_ = 	snop  }
0x4: {  	_ = 	snop  }
0x5: {  	_ = 	snop  }
0x6: {  	_ = 	snop  }
0x7: {  	_ = 	snop  }
__scs_overlays_trampoline_lowered:
0x8: {  	[smem:$0x3FAD] =	sst s0  }
0x9: {  	[smem:$0x3FAE] =	sst s1  }
0xa: {  	[smem:$0x3FAF] =	sst s2  }
0xb: {  	[smem:$0x3FB0] =	sst s3  }
0xc: {  	[smem:$0x3FB1] =	sst s4  }
0xd: {  	[smem:$0x3FB2] =	sst s5  }
0xe: {  	[smem:$0x3FB3] =	sst s6  }
0xf: {  	[smem:$0x3FB4] =	sst s7  }
0x10: {  	[smem:$0x3FB5] =	sst s8  }
0x11: {  	[smem:$0x3FB6] =	sst s9;
	s0 =	simm.s32 @!p0 $0x0  }
0x12: {  	s1 =	sld [smem:$0x3F9C];
	s0 =	simm.s32 @p0 $0x1  }
0x13: {  	[smem:$0x3FB7] =	sst s0;
	s0 =	simm.s32 @!p1 $0x0  }
0x14: {  	s2 =	sld [smem:$0x3F9B];
	s0 =	simm.s32 @p1 $0x1  }
0x15: {  	[smem:$0x3FB8] =	sst s0;
	s0 =	simm.s32 @!p2 $0x0  }
0x16: {  	s3 =	sld [smem:$0x3FDB];
	s0 =	simm.s32 @p2 $0x1  }
0x17: {  	s4 =	simm.s32 $0x1BF5;
	[smem:$0x3FBA] =	sst s0  }
0x18: {  	s0 =	sld [smem:$0x3F9D];
	_ =	swait.ge [sflag:s4], $0x0  }
0x19: {  	s7 =	sld [smem:$0x3F9E]  }
0x1a: {  	s8 =	sadd.s32 $0xFFFFE003, lr  }
0x1b: {  	s9 =	sadd.s32 $0xFFFFFEF7, lr;
	s5 =	simm.s32 $0xFFFFFFFF;
	p2 =	slt.u32 s8, $0xFFFFF086  }
0x1c: {  	p1 =	slt.u32 s9, $0xF7A;
	s5 =	simm.s32 @!p2 $0x0  }
0x1d: {  	s5 =	simm.s32 @p1 $0x1;
	p0 =	seq.s32 s7, s2  }
0x1e: {  	s7 =	smul.u32 @!p0 $0xF7A, s2;
	p2 =	seq.s32 @!p0 s5, $0x0  }
0x1f: {  	s9 =	smul.u32 $0xF7A, s1;
	s8 =	simm.s32 @!p0 $0x1BF5;
	p2 =	por !p2, p0  }
0x20: {  	[sflag:s8] =	ssyncset.s32 @!p0 $0xFFFFF086;
	s6 =	sadd.s32 @!p0 s3, s7;
	s7 =	simm.s32 @!p0 $0x108  }
0x21: {  	s3 =	sadd.s32 s3, s9;
	s6 =	sadd.s32 @!p0 $0x88, s6;
	s7 =	simm.s32 @p2 $0x1082  }
0x22: {  	[simem:s7], [sflag:s8] =	dma.local @!p0 [hbm:s6], $0xF7A  }
0x23: {  	s9 =	sor.u32 $0xD0000000, s2;
	s6 =	simm.s32 $0x108;
	_ =	swait.ge @!p0 [sflag:s8], $0x0  }
0x24: {  	s3 =	sadd.s32 $0x88, s3;
	s6 =	simm.s32 @!p1 $0x1082;
	[sflag:s4] =	ssyncset.s32 $0xFFFFF086  }
0x25: {  	[simem:s6], [sflag:s4] =	dma.local [hbm:s3], $0xF7A  }
0x26: {  	[smem:$0x3F9E] =	sst s1;
	(tag) =	ssettag s2;
	_ =	strace s9  }
0x27: {  	s1 =	sld [smem:$0x3FAE]  }
0x28: {  	s2 =	sld [smem:$0x3FAF]  }
0x29: {  	s4 =	sld [smem:$0x3FB1]  }
0x2a: {  	p0 =	seq.s32 s5, $0x0;
	s5 =	sld [smem:$0x3FB2]  }
0x2b: {  	s6 =	sld [smem:$0x3FB3]  }
0x2c: {  	s7 =	sld [smem:$0x3FB4]  }
0x2d: {  	s3 =	simm.s32 $0x108;
	s8 =	sld [smem:$0x3FB5]  }
0x2e: {  	s3 =	simm.s32 @!p0 $0x1082;
	s9 =	sld [smem:$0x3FB6]  }
0x2f: {  	lr =	sadd.s32 s0, s3;
	s0 =	sld [smem:$0x3FAD]  }
0x30: {  	s3 =	sld [smem:$0x3FB0]  }
0x31: {  	[smem:$0x3FB9] =	sst s10  }
0x32: {  	s10 =	sld [smem:$0x3FB7];
	_ =	sdelay $0x3  }
0x33: {  	p0 =	seq.s32 s10, $0x1;
	s10 =	sld [smem:$0x3FB9];
	_ =	sdelay $0x3  }
0x34: {  	[smem:$0x3FB9] =	sst s10  }
0x35: {  	s10 =	sld [smem:$0x3FB8];
	_ =	sdelay $0x3  }
0x36: {  	p1 =	seq.s32 s10, $0x1;
	s10 =	sld [smem:$0x3FB9];
	_ =	sdelay $0x3  }
0x37: {  	[smem:$0x3FB9] =	sst s10  }
0x38: {  	s10 =	sld [smem:$0x3FBA]  }
0x39: {  	_ = 	snop;
	(pc) =	sbr.ind lr, $3  }
0x3a: {  	_ = 	snop  }
0x3b: {  	_ = 	snop  }
0x3c: {  	p2 =	seq.s32 s10, $0x1;
	s10 =	sld [smem:$0x3FB9]  }
0x3d: {  	_ =	shalt  }
0x3e: {  	_ =	shalt  }
0x3f: {  	_ =	shalt  }
0x40: {  	_ =	shalt  }
0x41: {  	_ =	shalt  }
0x42: {  	_ =	shalt  }
0x43: {  	_ =	shalt  }
0x44: {  	_ =	shalt  }
0x45: {  	_ =	shalt  }
0x46: {  	_ =	shalt  }
0x47: {  	_ =	shalt  }
0x48: {  	_ =	shalt  }
0x49: {  	_ =	shalt  }
0x4a: {  	_ =	shalt  }
0x4b: {  	_ =	shalt  }
0x4c: {  	_ =	shalt  }
0x4d: {  	_ =	shalt  }
0x4e: {  	_ =	shalt  }
0x4f: {  	_ =	shalt  }
0x50: {  	_ =	shalt  }
0x51: {  	_ =	shalt  }
0x52: {  	_ =	shalt  }
0x53: {  	_ =	shalt  }
0x54: {  	_ =	shalt  }
0x55: {  	_ =	shalt  }
0x56: {  	_ =	shalt  }
0x57: {  	_ =	shalt  }
0x58: {  	_ =	shalt  }
0x59: {  	_ =	shalt  }
0x5a: {  	_ =	shalt  }
0x5b: {  	_ =	shalt  }
0x5c: {  	_ =	shalt  }
0x5d: {  	_ =	shalt  }
0x5e: {  	_ =	shalt  }
0x5f: {  	_ =	shalt  }
0x60: {  	_ =	shalt  }
0x61: {  	_ =	shalt  }
0x62: {  	_ =	shalt  }
0x63: {  	_ =	shalt  }
0x64: {  	_ =	shalt  }
0x65: {  	_ =	shalt  }
0x66: {  	_ =	shalt  }
0x67: {  	_ =	shalt  }
0x68: {  	_ =	shalt  }
0x69: {  	_ =	shalt  }
0x6a: {  	_ =	shalt  }
0x6b: {  	_ =	shalt  }
0x6c: {  	_ =	shalt  }
0x6d: {  	_ =	shalt  }
0x6e: {  	_ =	shalt  }
0x6f: {  	_ =	shalt  }
0x70: {  	_ =	shalt  }
0x71: {  	_ =	shalt  }
0x72: {  	_ =	shalt  }
0x73: {  	_ =	shalt  }
0x74: {  	_ =	shalt  }
0x75: {  	_ =	shalt  }
0x76: {  	_ =	shalt  }
0x77: {  	_ =	shalt  }
0x78: {  	_ =	shalt  }
0x79: {  	_ =	shalt  }
0x7a: {  	_ =	shalt  }
0x7b: {  	_ =	shalt  }
0x7c: {  	_ =	shalt  }
0x7d: {  	_ =	shalt  }
0x7e: {  	_ =	shalt  }
0x7f: {  	_ =	shalt  }
0x80: {  	_ =	shalt  }
0x81: {  	_ =	shalt  }
0x82: {  	_ =	shalt  }
0x83: {  	_ =	shalt  }
0x84: {  	_ =	shalt  }
0x85: {  	_ =	shalt  }
0x86: {  	_ =	shalt  }
0x87: {  	_ =	shalt  }
.Lfunc_end0:
.L_simem_size_0:
called_computation.1_lowered:
.L_overlay_start_0:
0x88: {  	s2 =	sld [smem:$0x3FD9]  }
0x89: {  	s3 =	sld [smem:$0x3FFE];
	_ =	sdelay $0x1  }
0x8a: {  	s1 =	srdreg.scid  }
0x8b: {  	s0 =	sand.u32 $0x1, s1  }
0x8c: {  	s17 =	sshll.u32 s0, $0xA;
	s2 =	sadd.s32 s3, s2  }
0x8d: {  	s2 =	sadd.s32 s2, s17  }
0x8e: {  	[smem:$0x3FC5] =	sst s2  }
0x8f: {  	_ = 	snop  }
0x90: {  	s2 =	sld [smem:$0x3FD0];
	(tm) =	ssettm $0x1  }
0x91: {  	s18 =	sld [smem:$0x3FFB];
	_ =	sdelay $0x3  }
0x92: {  	_ =	strace s18  }
0x93: {  	s3 =	sld [smem:$0x3FFC];
	_ =	sdelay $0x3  }
0x94: {  	_ =	strace s3  }
0x95: {  	s3 =	sld [smem:$0x3FFD];
	_ =	sdelay $0x3  }
0x96: {  	_ =	strace s3  }
0x97: {  	_ =	strace $0x8FFFFFFF  }
0x98: {  	s19 =	sld [smem:$0x3FDB];
	_ =	sdelay $0x1  }
0x99: {  	s4 =	simm.s32 $_scs_section_size  }
0x9a: {  	s5 =	simm.s32 $_size__tile_overlayer_lowered;
	s6 =	simm.s32 $_tile_overlayer_lowered  }
0x9b: {  	s22 =	simm.s32 $0x1BFF;
	s21 =	sshll.u32 s6, $0x1;
	s3 =	sadd.s32 s4, s19  }
0x9c: {  	s7 =	simm.s32 $0x0;
	s20 =	sshll.u32 s5, $0x1;
	s5 =	sadd.s32 s21, s3  }
0x9d: {  	[timem:s7], [sflag:s22] =	dma.local [hbm:s5], s20  }
0x9e: {  	_ =	swait.ge [sflag:s22], s20  }
0x9f: {  	s4 =	ssub.s32 $0x0, s20;
	[sflag:s22] =	ssyncset.done $0x0  }
0xa0: {  	[sflag:s22] =	ssyncadd.s32 s4;
	_ =	sdelay $0x1  }
0xa1: {  	s23 =	simm.s32 $0x1B8B  }
0xa2: {  	_ =	swait.ge [sflag:s23], $0x1  }
0xa3: {  	[sflag:s23] =	ssyncset.done $0x0  }
0xa4: {  	s25 =	simm.s32 $0x1B8E;
	s24 =	sld [smem:$0x3FFE];
	[sflag:s23] =	ssyncadd.s32 $0xFFFFFFFF  }
0xa5: {  	s26 =	simm.s32 $execute0_lowered;
	[smem:$0x3FD2] =	sst s25  }
0xa6: {  	s5 =	sshll.u32 s26, $0x1;
	_ =	strace $0x80000046;
	[dreg:$0x1] =	wrdreg $0xFFFFFFFF  }
0xa7: {  	s28 =	simm.s32 $_size_execute0_lowered;
	s3 =	sadd.s32 s3, s5;
	[dreg:$0x0] =	wrdreg $0x0  }
0xa8: {  	s5 =	sshll.u32 s28, $0x1;
	[dreg:$0x2] =	wrdreg s3  }
0xa9: {  	[dreg:$0x3] =	wrdreg s5  }
0xaa: {  	[dreg:$0x4] =	wrdreg $0xC0  }
0xab: {  	_ =	task [dreg:s7], $0x5FFFF  }
0xac: {  	[dreg:$0x1] =	wrdreg $0xFFFFFFFF  }
0xad: {  	[dreg:$0x0] =	wrdreg $0x60  }
0xae: {  	[dreg:$0x2] =	wrdreg s2  }
0xaf: {  	[dreg:$0x3] =	wrdreg s24  }
0xb0: {  	[dreg:$0x4] =	wrdreg $0x9  }
0xb1: {  	_ =	task.clear_ibuf [dreg:s7], $0x5FFFF;
	_ =	strace $0x90000046  }
0xb2: {  	s29 =	simm.s32 $0x9;
	_ =	strace $0x80000048  }
0xb3: {  	_ =	swait.ge [sflag:s29], $0x1  }
0xb4: {  	[sflag:s29] =	ssyncadd.s32 $0xFFFFFFFF  }
0xb5: {  	_ =	strace $0x90000048  }
0xb6: {  	_ =	sfence  }
0xb7: {  	s30 =	sld [smem:$0x0];
	_ =	sdelay $0x2  }
0xb8: {  	s31 =	sshll.u32 s1, $0xD;
	s1 =	sshrl.u32 s1, $0x2  }
0xb9: {  	s3 =	sand.u32 $0x4000, s31;
	s1 =	sadd.s32 s1, s30  }
0xba: {  	s0 =	sor.u32 s3, s0;
	s1 =	sshll.u32 s1, $0x11  }
0xbb: {  	s0 =	sor.u32 s1, s0  }
0xbc: {  	s0 =	sadd.s32 $0x8F2B, s0  }
0xbd: {  	[sflag:s0] =	ssyncadd.remote.s32 $0x1  }
0xbe: {  	_ =	sfence.sel $0xFFFF  }
0xbf: {  	[dreg:$0x0] =	wrdreg $0xFFFFFFFF;
	(pc) =	sbr.abs _section_cstart, $3  }
0xc0: {  	[dreg:$0x1] =	wrdreg $0xFFFFFFFF  }
0xc1: {  	_ =	task.clear_ibuf [dreg:s7], $0x2FFFF;
	_ =	strace $0x9FFFFFFF  }
0xc2: {  	(tm) =	ssettm $0x7FFFFFFF  }
0xc3: {  	_ =	shalt  }
tec
execute0_lowered:
.L_overlay_start_1:
0x0: {  	(tag) =	ssettag $0x1  }
0x1: {  	s0 =	rddreg [dreg:$0x0];
	s1 =	srdreg.scid  }
0x2: {  	s2 =	stileid.u32;
	s6 =	rddreg [dreg:$0x1];
	s12 =	simm.s32 $0x7  }
0x3: {  	s14 =	simm.s32 $0xC8;
	s20 =	simm.s32 $0xFA00;
	s21 =	simm.s32 $0x1  }
0x4: {  	s22 =	simm.s32 $0x40;
	s23 =	simm.s32 $0x80;
	s24 =	simm.s32 $0x12C00  }
0x5: {  	s25 =	simm.s32 $0x2;
	s26 =	simm.s32 $0x15E00;
	s28 =	simm.s32 $0x3  }
0x6: {  	s29 =	simm.s32 $0x5;
	s1 =	sand.u32 $0x1, s1;
	s3 =	sshll.u32 s2, $0x1  }
0x7: {  	s30 =	simm.s32 $0x4;
	s31 =	simm.s32 $0x6;
	s3 =	sor.u32 s1, s3  }
0x8: {  	s2 =	simm.s32 $0x0;
	s4 =	sadd.s32 $0xF43000, s6;
	s3 =	smul.u32 $0x6400, s3  }
.Ltmp0:
0x9: {  	s5 =	sadd.s32 $0xC00, s6;
	s1 =	ssub.s32 $0x2, s1;
	(pc) =	sbr.rel .LBB2_1-.Ltmp0, $4  }
0xa: {  	s6 =	sadd.s32 $0x1400, s6;
	[smem:$0x7FF] =	sst s2;
	s7 =	sshrl.u32 s1, $0x1  }
0xb: {  	_ =	strace $0x80000047;
	s1 =	ssub.s32 s1, s7;
	s8 =	sshrl.u32 s3, $0x3  }
0xc: {  	s9 =	sor.u32 $0x190, s3;
	s10 =	sor.u32 $0x258, s3;
	s11 =	smax.u32 s1, $0x1  }
0xd: {  	s1 =	simm.s32 $0x0;
	s7 =	sadd.s32 s0, s8;
	s8 =	sor.u32 $0xC8, s3  }
.LBB2_12:
0xe: {  	s1 =	sadd.s32 $0x1, s1  }
0xf: {  	_ =	swait.ge [sflag:s29], $0x3200;
	p0 =	sne.s32 s1, s11  }
.Ltmp1:
0x10: {  	[sflag:s29] =	ssyncset.done $0x0;
	(pc) =	sbr.rel @!p0 .LBB2_13-.Ltmp1, $4  }
0x11: {  	[sflag:s29] =	ssyncadd.s32 $0xFFFFCE00  }
0x12: {  	_ =	swait.ge [sflag:s31], $0x3200  }
0x13: {  	[sflag:s31] =	ssyncset.done $0x0  }
0x14: {  	[sflag:s31] =	ssyncadd.s32 $0xFFFFCE00  }
.LBB2_1:
0x15: {  	[tilespmem:s2], [sflag:$0x7] =	stream.linear.gather [hbm4b:s7+s2], $0x6400, $0x38;
	[tilespmem:$0x1C200] =	vst v63  }
0x16: {  	_ =	swait.ge [sflag:s12], $0x6400  }
0x17: {  	[sflag:s12] =	ssyncset.done $0x0  }
0x18: {  	s0 =	simm.s32 $0x19000;
	[sflag:s12] =	ssyncadd.s32 $0xFFFF9C00  }
0x19: {  	[tilespmem:s0], [sflag:$0x7] =	stream.linear.gather [hbm4b:s5+s2], $0x3200, $0x38;
	[tilespmem:$0x1C200] =	vst v63  }
0x1a: {  	_ =	swait.ge [sflag:s12], $0x3200  }
0x1b: {  	[sflag:s12] =	ssyncset.done $0x0  }
0x1c: {  	s16 =	simm.s32 $0x6400;
	[sflag:s12] =	ssyncadd.s32 $0xFFFFCE00  }
0x1d: {  	[tilespmem:s16], [sflag:$0x1] =	stream.indirect.gather [hbm4b:s4+s14], $0x40, s2, s14, $0xb8;
	[tilespmem:$0x1C200] =	vst v63  }
0x1e: {  	s17 =	simm.s32 $0x9600  }
0x1f: {  	[tilespmem:s17], [sflag:$0x2] =	stream.indirect.gather [hbm4b:s4+s14], $0x40, s14, s14, $0xb8;
	[tilespmem:$0x1C200] =	vst v63  }
0x20: {  	s18 =	simm.s32 $0x190;
	s13 =	simm.s32 $0xC800  }
0x21: {  	[tilespmem:s13], [sflag:$0x3] =	stream.indirect.gather [hbm4b:s4+s14], $0x40, s18, s14, $0xb8;
	[tilespmem:$0x1C200] =	vst v63  }
0x22: {  	s19 =	simm.s32 $0x258;
	s0 =	simm.s32 $0x0  }
0x23: {  	[tilespmem:s20], [sflag:$0x4] =	stream.indirect.gather [hbm4b:s4+s14], $0x40, s19, s14, $0xb8;
	[tilespmem:$0x1C200] =	vst v63  }
.LBB2_2:
0x24: {  	_ =	swait.ge [sflag:s21], $0x3200  }
0x25: {  	p1 =	seq.s32 s0, $0x0;
	[sflag:s21] =	ssyncset.done $0x0  }
0x26: {  	s13 =	simm.s32 @!p1 $0x5;
	[sflag:s21] =	ssyncadd.s32 $0xFFFFCE00  }
0x27: {  	_ =	swait.ge @!p1 [sflag:s13], $0x3200  }
0x28: {  	[sflag:s13] =	ssyncset.done @!p1 $0x0  }
0x29: {  	s16 =	simm.s32 $0x70;
	[sflag:s13] =	ssyncadd.s32 @!p1 $0xFFFFCE00  }
0x2a: {  	v0 =	vld [tilespmem:s16+$0x6400]  }
0x2b: {  	v1 =	vld [tilespmem:s16+$0x6390]  }
0x2c: {  	v2 =	vld [tilespmem:s16+$0x19000]  }
0x2d: {  	v3 =	vld [tilespmem:s16+$0x63A0]  }
0x2e: {  	v5 =	vld [tilespmem:s16+$0x63B0]  }
0x2f: {  	v7 =	vld [tilespmem:s16+$0x63C0]  }
0x30: {  	v9 =	vld [tilespmem:s16+$0x63D0]  }
0x31: {  	v11 =	vld [tilespmem:s16+$0x63E0];
	v0 =	vmul.f32 $8.000000000e+00, v0  }
0x32: {  	v12 =	vld [tilespmem:s16+$0x63F0]  }
0x33: {  	v0 =	vadd.f32 v2, v0;
	v2 =	vld [tilespmem:s16+$0x18F90]  }
0x34: {  	v13 =	vld [tilespmem:s16+$0x18FA0]  }
0x35: {  	v8 =	vld [tilespmem:s16+$0x18FB0]  }
0x36: {  	v4 =	vld [tilespmem:s16+$0x18FC0];
	[tilespmem:s16+$0x12C00] =	vst v0;
	v0 =	vmul.f32 $8.000000000e+00, v1  }
0x37: {  	s13 =	smul.u32 $0x320, s0;
	v14 =	vmul.f32 $8.000000000e+00, v3;
	v6 =	vmul.f32 $8.000000000e+00, v5;
	v5 =	vld [tilespmem:s16+$0x18FD0]  }
0x38: {  	v3 =	vmul.f32 $8.000000000e+00, v7;
	v7 =	vld [tilespmem:s16+$0x18FE0];
	v1 =	vmul.f32 $8.000000000e+00, v9;
	v10 =	vadd.f32 v2, v0  }
0x39: {  	s17 =	simm.s32 $0xF0;
	s18 =	simm.s32 $0x5C0;
	s15 =	sadd.s32 s3, s13;
	v9 =	vld [tilespmem:s16+$0x18FF0];
	v2 =	vmul.f32 $8.000000000e+00, v11;
	v0 =	vmul.f32 $8.000000000e+00, v12;
	v11 =	vadd.f32 v13, v14  }
.LBB2_3:
0x3a: {  	p0 =	sne.s32 s18, $0xC7C0;
	v12 =	vld [tilespmem:s17+$0x6400];
	[tilespmem:s16+$0x12B90] =	vst v10;
	v6 =	vadd.f32 v8, v6  }
0x3b: {  	v8 =	vld [tilespmem:s17+$0x6390];
	[tilespmem:s16+$0x12BA0] =	vst v11;
	v3 =	vadd.f32 v4, v3  }
0x3c: {  	v4 =	vld [tilespmem:s17+$0x19000];
	[tilespmem:s16+$0x12BB0] =	vst v6;
	v1 =	vadd.f32 v5, v1  }
0x3d: {  	v5 =	vld [tilespmem:s17+$0x63A0];
	[tilespmem:s16+$0x12BC0] =	vst v3;
	v2 =	vadd.f32 v7, v2  }
0x3e: {  	v3 =	vld [tilespmem:s17+$0x63B0];
	[tilespmem:s16+$0x12BD0] =	vst v1;
	v0 =	vadd.f32 v9, v0  }
0x3f: {  	v1 =	vld [tilespmem:s17+$0x63C0];
	v6 =	vmul.f32 $8.000000000e+00, v12;
	[tilespmem:s16+$0x12BE0] =	vst v2  }
0x40: {  	v7 =	vmul.f32 $8.000000000e+00, v8;
	v2 =	vld [tilespmem:s17+$0x63D0];
	[tilespmem:s16+$0x12BF0] =	vst v0;
	s16 =	smov.u32 s17  }
0x41: {  	v0 =	vld [tilespmem:s16+$0x63E0];
	v4 =	vadd.f32 v4, v6  }
0x42: {  	v9 =	vmul.f32 $8.000000000e+00, v5;
	v10 =	vld [tilespmem:s16+$0x63F0]  }
0x43: {  	v11 =	vld [tilespmem:s16+$0x18F90];
	v6 =	vmul.f32 $8.000000000e+00, v3;
	[tilespmem:s16+$0x12C00] =	vst v4  }
0x44: {  	v12 =	vld [tilespmem:s16+$0x18FA0];
	v3 =	vmul.f32 $8.000000000e+00, v1  }
.Ltmp2:
0x45: {  	v8 =	vld [tilespmem:s16+$0x18FB0];
	v1 =	vmul.f32 $8.000000000e+00, v2;
	(pc) =	sbr.rel @p0 .LBB2_3-.Ltmp2, $4  }
0x46: {  	v4 =	vld [tilespmem:s16+$0x18FC0];
	v2 =	vmul.f32 $8.000000000e+00, v0  }
0x47: {  	v5 =	vld [tilespmem:s16+$0x18FD0];
	v0 =	vmul.f32 $8.000000000e+00, v10  }
0x48: {  	v10 =	vadd.f32 v11, v7;
	v7 =	vld [tilespmem:s16+$0x18FE0]  }
0x49: {  	s17 =	sshra.s32 s18, $0x2;
	s18 =	sadd.s32 $0x200, s18;
	v11 =	vadd.f32 v12, v9;
	v9 =	vld [tilespmem:s16+$0x18FF0]  }
0x4a: {  	v12 =	vld [tilespmem:s17+$0x6400];
	[tilespmem:s16+$0x12B90] =	vst v10;
	v6 =	vadd.f32 v8, v6  }
0x4b: {  	v10 =	vld [tilespmem:s17+$0x6390];
	[tilespmem:s16+$0x12BA0] =	vst v11;
	v3 =	vadd.f32 v4, v3  }
0x4c: {  	v8 =	vld [tilespmem:s17+$0x19000];
	[tilespmem:s16+$0x12BB0] =	vst v6;
	v1 =	vadd.f32 v5, v1  }
0x4d: {  	v4 =	vld [tilespmem:s17+$0x63A0];
	[tilespmem:s16+$0x12BC0] =	vst v3;
	v2 =	vadd.f32 v7, v2  }
0x4e: {  	v3 =	vld [tilespmem:s17+$0x63B0];
	[tilespmem:s16+$0x12BD0] =	vst v1;
	v0 =	vadd.f32 v9, v0  }
0x4f: {  	v1 =	vld [tilespmem:s17+$0x63C0];
	[tilespmem:s16+$0x12BE0] =	vst v2  }
0x50: {  	v5 =	vmul.f32 $8.000000000e+00, v12;
	v2 =	vld [tilespmem:s17+$0x63D0];
	[tilespmem:s16+$0x12BF0] =	vst v0  }
0x51: {  	v0 =	vld [tilespmem:s17+$0x63E0]  }
0x52: {  	v5 =	vadd.f32 v8, v5;
	v7 =	vld [tilespmem:s17+$0x18F90]  }
0x53: {  	v8 =	vld [tilespmem:s17+$0x18FB0]  }
0x54: {  	[tilespmem:s17+$0x12C00] =	vst v5;
	v5 =	vld [tilespmem:s17+$0x18FA0]  }
0x55: {  	v6 =	vld [tilespmem:s17+$0x63F0]  }
0x56: {  	v9 =	vmul.f32 $8.000000000e+00, v10;
	v10 =	vld [tilespmem:s17+$0x18FC0]  }
0x57: {  	v11 =	vld [tilespmem:s17+$0x18FD0];
	v4 =	vmul.f32 $8.000000000e+00, v4;
	v3 =	vmul.f32 $8.000000000e+00, v3  }
0x58: {  	v7 =	vadd.f32 v7, v9;
	v9 =	vld [tilespmem:s17+$0x18FE0]  }
0x59: {  	v1 =	vmul.f32 $8.000000000e+00, v1;
	v3 =	vadd.f32 v8, v3;
	v4 =	vadd.f32 v5, v4;
	v5 =	vld [tilespmem:s17+$0x18FF0]  }
0x5a: {  	v2 =	vmul.f32 $8.000000000e+00, v2;
	[tilespmem:s17+$0x12B90] =	vst v7  }
0x5b: {  	v0 =	vmul.f32 $8.000000000e+00, v0;
	v1 =	vadd.f32 v10, v1;
	[tilespmem:s17+$0x12BB0] =	vst v3  }
0x5c: {  	v2 =	vadd.f32 v11, v2;
	[tilespmem:s17+$0x12BA0] =	vst v4;
	v4 =	vmul.f32 $8.000000000e+00, v6  }
0x5d: {  	[tilespmem:s17+$0x12BC0] =	vst v1;
	v0 =	vadd.f32 v9, v0  }
0x5e: {  	[tilespmem:s17+$0x12BD0] =	vst v2;
	v1 =	vadd.f32 v5, v4  }
0x5f: {  	s15 =	sshll.u32 s15, $0x4;
	p0 =	seq.s32 s0, $0x1F;
	[tilespmem:s17+$0x12BE0] =	vst v0  }
0x60: {  	s15 =	sadd.s32 s6, s15;
	s16 =	smul.u32 @!p0 $0xC80, s0;
	[tilespmem:s17+$0x12BF0] =	vst v1  }
0x61: {  	[hbm4b:s15+s22] =	stream.strided.scatter [tilespmem:s24], [sflag:$0x5], $0x3200, s23, s22, $0x38;
	[tilespmem:$0x1C200] =	vst v63  }
0x62: {  	s15 =	sshra.s32 @!p0 s16, $0x2  }
0x63: {  	s18 =	simm.s32 @!p0 $0x6400;
	s17 =	simm.s32 @!p0 $0xC8;
	s16 =	sadd.s32 @!p0 $0x320, s15  }
0x64: {  	[tilespmem:s18], [sflag:$0x1] =	stream.indirect.gather @!p0 [hbm4b:s4+s17], $0x40, s16, s17, $0xb8;
	[tilespmem:$0x1C200] =	vst v63  }
0x65: {  	_ =	swait.ge [sflag:s25], $0x3200  }
0x66: {  	[sflag:s25] =	ssyncset.done $0x0  }
0x67: {  	s16 =	simm.s32 @!p1 $0x6;
	[sflag:s25] =	ssyncadd.s32 $0xFFFFCE00  }
0x68: {  	_ =	swait.ge @!p1 [sflag:s16], $0x3200  }
0x69: {  	[sflag:s16] =	ssyncset.done @!p1 $0x0  }
0x6a: {  	s17 =	simm.s32 $0x70;
	[sflag:s16] =	ssyncadd.s32 @!p1 $0xFFFFCE00  }
0x6b: {  	v0 =	vld [tilespmem:s17+$0x9600]  }
0x6c: {  	v1 =	vld [tilespmem:s17+$0x9590]  }
0x6d: {  	v2 =	vld [tilespmem:s17+$0x19000]  }
0x6e: {  	v3 =	vld [tilespmem:s17+$0x95A0]  }
0x6f: {  	v4 =	vld [tilespmem:s17+$0x95B0]  }
0x70: {  	v5 =	vld [tilespmem:s17+$0x95C0]  }
0x71: {  	v6 =	vld [tilespmem:s17+$0x95D0]  }
0x72: {  	v9 =	vld [tilespmem:s17+$0x95E0]  }
0x73: {  	v10 =	vld [tilespmem:s17+$0x95F0]  }
0x74: {  	v11 =	vld [tilespmem:s17+$0x18F90]  }
0x75: {  	v63 =	vld [tilespmem:s17+$0x18FA0];
	v0 =	vmul.f32 $8.000000000e+00, v0  }
0x76: {  	v8 =	vld [tilespmem:s17+$0x18FB0]  }
0x77: {  	v7 =	vld [tilespmem:s17+$0x18FC0];
	v13 =	vmul.f32 $8.000000000e+00, v1;
	v14 =	vmul.f32 $8.000000000e+00, v3;
	v0 =	vadd.f32 v2, v0  }
0x78: {  	v4 =	vmul.f32 $8.000000000e+00, v4;
	v3 =	vmul.f32 $8.000000000e+00, v5;
	v5 =	vld [tilespmem:s17+$0x18FD0]  }
0x79: {  	v2 =	vmul.f32 $8.000000000e+00, v6;
	v6 =	vld [tilespmem:s17+$0x18FE0];
	[tilespmem:s17+$0x15E00] =	vst v0;
	v0 =	vmul.f32 $8.000000000e+00, v10;
	v10 =	vadd.f32 v11, v13  }
0x7a: {  	s19 =	simm.s32 $0x5C0;
	s18 =	simm.s32 $0xF0;
	s16 =	sadd.s32 s13, s8;
	v1 =	vmul.f32 $8.000000000e+00, v9;
	v9 =	vld [tilespmem:s17+$0x18FF0];
	v11 =	vadd.f32 v63, v14  }
.LBB2_5:
0x7b: {  	p1 =	sne.s32 s19, $0xC7C0;
	v12 =	vld [tilespmem:s18+$0x9600];
	[tilespmem:s17+$0x15D90] =	vst v10;
	v4 =	vadd.f32 v8, v4  }
0x7c: {  	v8 =	vld [tilespmem:s18+$0x9590];
	[tilespmem:s17+$0x15DA0] =	vst v11;
	v3 =	vadd.f32 v7, v3  }
0x7d: {  	v7 =	vld [tilespmem:s18+$0x19000];
	[tilespmem:s17+$0x15DB0] =	vst v4;
	v2 =	vadd.f32 v5, v2  }
0x7e: {  	v4 =	vld [tilespmem:s18+$0x95A0];
	[tilespmem:s17+$0x15DC0] =	vst v3;
	v1 =	vadd.f32 v6, v1  }
0x7f: {  	v3 =	vld [tilespmem:s18+$0x95B0];
	[tilespmem:s17+$0x15DD0] =	vst v2;
	v0 =	vadd.f32 v9, v0  }
0x80: {  	v2 =	vld [tilespmem:s18+$0x95C0];
	v5 =	vmul.f32 $8.000000000e+00, v12;
	[tilespmem:s17+$0x15DE0] =	vst v1  }
0x81: {  	v6 =	vmul.f32 $8.000000000e+00, v8;
	v1 =	vld [tilespmem:s18+$0x95D0];
	[tilespmem:s17+$0x15DF0] =	vst v0;
	s17 =	smov.u32 s18  }
0x82: {  	v0 =	vld [tilespmem:s17+$0x95E0];
	v5 =	vadd.f32 v7, v5  }
0x83: {  	v9 =	vmul.f32 $8.000000000e+00, v4;
	v10 =	vld [tilespmem:s17+$0x95F0]  }
0x84: {  	v11 =	vld [tilespmem:s17+$0x18F90];
	v4 =	vmul.f32 $8.000000000e+00, v3;
	[tilespmem:s17+$0x15E00] =	vst v5  }
0x85: {  	v12 =	vld [tilespmem:s17+$0x18FA0];
	v3 =	vmul.f32 $8.000000000e+00, v2  }
.Ltmp3:
0x86: {  	v8 =	vld [tilespmem:s17+$0x18FB0];
	v2 =	vmul.f32 $8.000000000e+00, v1;
	(pc) =	sbr.rel @p1 .LBB2_5-.Ltmp3, $4  }
0x87: {  	v7 =	vld [tilespmem:s17+$0x18FC0];
	v1 =	vmul.f32 $8.000000000e+00, v0  }
0x88: {  	v5 =	vld [tilespmem:s17+$0x18FD0];
	v0 =	vmul.f32 $8.000000000e+00, v10  }
0x89: {  	v10 =	vadd.f32 v11, v6;
	v6 =	vld [tilespmem:s17+$0x18FE0]  }
0x8a: {  	s18 =	sshra.s32 s19, $0x2;
	s19 =	sadd.s32 $0x200, s19;
	v11 =	vadd.f32 v12, v9;
	v9 =	vld [tilespmem:s17+$0x18FF0]  }
0x8b: {  	v12 =	vld [tilespmem:s18+$0x9600];
	[tilespmem:s17+$0x15D90] =	vst v10;
	v4 =	vadd.f32 v8, v4  }
0x8c: {  	v10 =	vld [tilespmem:s18+$0x9590];
	[tilespmem:s17+$0x15DA0] =	vst v11;
	v3 =	vadd.f32 v7, v3  }
0x8d: {  	v8 =	vld [tilespmem:s18+$0x19000];
	[tilespmem:s17+$0x15DB0] =	vst v4;
	v2 =	vadd.f32 v5, v2  }
0x8e: {  	v4 =	vld [tilespmem:s18+$0x95A0];
	[tilespmem:s17+$0x15DC0] =	vst v3;
	v1 =	vadd.f32 v6, v1  }
0x8f: {  	v3 =	vld [tilespmem:s18+$0x95B0];
	[tilespmem:s17+$0x15DD0] =	vst v2;
	v0 =	vadd.f32 v9, v0  }
0x90: {  	v2 =	vld [tilespmem:s18+$0x95C0];
	[tilespmem:s17+$0x15DE0] =	vst v1  }
0x91: {  	v5 =	vmul.f32 $8.000000000e+00, v12;
	v1 =	vld [tilespmem:s18+$0x95D0];
	[tilespmem:s17+$0x15DF0] =	vst v0  }
0x92: {  	v0 =	vld [tilespmem:s18+$0x95E0]  }
0x93: {  	v5 =	vadd.f32 v8, v5;
	v7 =	vld [tilespmem:s18+$0x18F90]  }
0x94: {  	v8 =	vld [tilespmem:s18+$0x18FB0]  }
0x95: {  	[tilespmem:s18+$0x15E00] =	vst v5;
	v5 =	vld [tilespmem:s18+$0x18FA0]  }
0x96: {  	v6 =	vld [tilespmem:s18+$0x95F0]  }
0x97: {  	v9 =	vmul.f32 $8.000000000e+00, v10;
	v10 =	vld [tilespmem:s18+$0x18FC0]  }
0x98: {  	v11 =	vld [tilespmem:s18+$0x18FD0];
	v4 =	vmul.f32 $8.000000000e+00, v4;
	v3 =	vmul.f32 $8.000000000e+00, v3  }
0x99: {  	v7 =	vadd.f32 v7, v9;
	v9 =	vld [tilespmem:s18+$0x18FE0]  }
0x9a: {  	v2 =	vmul.f32 $8.000000000e+00, v2;
	v3 =	vadd.f32 v8, v3;
	v4 =	vadd.f32 v5, v4;
	v5 =	vld [tilespmem:s18+$0x18FF0]  }
0x9b: {  	v1 =	vmul.f32 $8.000000000e+00, v1;
	[tilespmem:s18+$0x15D90] =	vst v7  }
0x9c: {  	v0 =	vmul.f32 $8.000000000e+00, v0;
	v2 =	vadd.f32 v10, v2;
	[tilespmem:s18+$0x15DB0] =	vst v3  }
0x9d: {  	v1 =	vadd.f32 v11, v1;
	[tilespmem:s18+$0x15DA0] =	vst v4;
	v4 =	vmul.f32 $8.000000000e+00, v6  }
0x9e: {  	[tilespmem:s18+$0x15DC0] =	vst v2;
	v0 =	vadd.f32 v9, v0  }
0x9f: {  	s16 =	sshll.u32 s16, $0x4;
	[tilespmem:s18+$0x15DD0] =	vst v1;
	v1 =	vadd.f32 v5, v4  }
0xa0: {  	s16 =	sand.u32 $0x1FFFFE80, s16;
	[tilespmem:s18+$0x15DE0] =	vst v0  }
0xa1: {  	s16 =	sadd.s32 s6, s16;
	[tilespmem:s18+$0x15DF0] =	vst v1  }
0xa2: {  	[hbm4b:s16+s22] =	stream.strided.scatter [tilespmem:s26], [sflag:$0x6], $0x3200, s23, s22, $0x38;
	[tilespmem:$0x1C200] =	vst v63  }
0xa3: {  	s17 =	simm.s32 @!p0 $0xC8;
	s18 =	simm.s32 @!p0 $0x9600;
	s16 =	sadd.s32 @!p0 $0x3E8, s15  }
0xa4: {  	[tilespmem:s18], [sflag:$0x2] =	stream.indirect.gather @!p0 [hbm4b:s4+s17], $0x40, s16, s17, $0xb8;
	[tilespmem:$0x1C200] =	vst v63  }
0xa5: {  	_ =	swait.ge [sflag:s28], $0x3200  }
0xa6: {  	[sflag:s28] =	ssyncset.done $0x0  }
0xa7: {  	[sflag:s28] =	ssyncadd.s32 $0xFFFFCE00  }
0xa8: {  	_ =	swait.ge [sflag:s29], $0x3200  }
0xa9: {  	[sflag:s29] =	ssyncset.done $0x0  }
0xaa: {  	s16 =	simm.s32 $0x70;
	[sflag:s29] =	ssyncadd.s32 $0xFFFFCE00  }
0xab: {  	v0 =	vld [tilespmem:s16+$0xC800]  }
0xac: {  	v1 =	vld [tilespmem:s16+$0xC790]  }
0xad: {  	v2 =	vld [tilespmem:s16+$0x19000]  }
0xae: {  	v3 =	vld [tilespmem:s16+$0xC7A0]  }
0xaf: {  	v4 =	vld [tilespmem:s16+$0xC7B0]  }
0xb0: {  	v5 =	vld [tilespmem:s16+$0xC7C0]  }
0xb1: {  	v6 =	vld [tilespmem:s16+$0xC7D0]  }
0xb2: {  	v9 =	vld [tilespmem:s16+$0xC7E0]  }
0xb3: {  	v10 =	vld [tilespmem:s16+$0xC7F0]  }
0xb4: {  	v11 =	vld [tilespmem:s16+$0x18F90]  }
0xb5: {  	v63 =	vld [tilespmem:s16+$0x18FA0];
	v0 =	vmul.f32 $8.000000000e+00, v0  }
0xb6: {  	v8 =	vld [tilespmem:s16+$0x18FB0]  }
0xb7: {  	v7 =	vld [tilespmem:s16+$0x18FC0];
	v13 =	vmul.f32 $8.000000000e+00, v1;
	v14 =	vmul.f32 $8.000000000e+00, v3;
	v0 =	vadd.f32 v2, v0  }
0xb8: {  	v4 =	vmul.f32 $8.000000000e+00, v4;
	v3 =	vmul.f32 $8.000000000e+00, v5;
	v5 =	vld [tilespmem:s16+$0x18FD0]  }
0xb9: {  	v2 =	vmul.f32 $8.000000000e+00, v6;
	v6 =	vld [tilespmem:s16+$0x18FE0];
	[tilespmem:s16+$0x12C00] =	vst v0;
	v0 =	vmul.f32 $8.000000000e+00, v10;
	v10 =	vadd.f32 v11, v13  }
0xba: {  	s17 =	simm.s32 $0xF0;
	s18 =	simm.s32 $0x5C0;
	v1 =	vmul.f32 $8.000000000e+00, v9;
	v9 =	vld [tilespmem:s16+$0x18FF0];
	v11 =	vadd.f32 v63, v14  }
.LBB2_7:
0xbb: {  	p1 =	sne.s32 s18, $0xC7C0;
	v12 =	vld [tilespmem:s17+$0xC800];
	[tilespmem:s16+$0x12B90] =	vst v10;
	v4 =	vadd.f32 v8, v4  }
0xbc: {  	v8 =	vld [tilespmem:s17+$0xC790];
	[tilespmem:s16+$0x12BA0] =	vst v11;
	v3 =	vadd.f32 v7, v3  }
0xbd: {  	v7 =	vld [tilespmem:s17+$0x19000];
	[tilespmem:s16+$0x12BB0] =	vst v4;
	v2 =	vadd.f32 v5, v2  }
0xbe: {  	v4 =	vld [tilespmem:s17+$0xC7A0];
	[tilespmem:s16+$0x12BC0] =	vst v3;
	v1 =	vadd.f32 v6, v1  }
0xbf: {  	v3 =	vld [tilespmem:s17+$0xC7B0];
	[tilespmem:s16+$0x12BD0] =	vst v2;
	v0 =	vadd.f32 v9, v0  }
0xc0: {  	v2 =	vld [tilespmem:s17+$0xC7C0];
	v5 =	vmul.f32 $8.000000000e+00, v12;
	[tilespmem:s16+$0x12BE0] =	vst v1  }
0xc1: {  	v6 =	vmul.f32 $8.000000000e+00, v8;
	v1 =	vld [tilespmem:s17+$0xC7D0];
	[tilespmem:s16+$0x12BF0] =	vst v0;
	s16 =	smov.u32 s17  }
0xc2: {  	v0 =	vld [tilespmem:s16+$0xC7E0];
	v5 =	vadd.f32 v7, v5  }
0xc3: {  	v9 =	vmul.f32 $8.000000000e+00, v4;
	v10 =	vld [tilespmem:s16+$0xC7F0]  }
0xc4: {  	v11 =	vld [tilespmem:s16+$0x18F90];
	v4 =	vmul.f32 $8.000000000e+00, v3;
	[tilespmem:s16+$0x12C00] =	vst v5  }
0xc5: {  	v12 =	vld [tilespmem:s16+$0x18FA0];
	v3 =	vmul.f32 $8.000000000e+00, v2  }
.Ltmp4:
0xc6: {  	v8 =	vld [tilespmem:s16+$0x18FB0];
	v2 =	vmul.f32 $8.000000000e+00, v1;
	(pc) =	sbr.rel @p1 .LBB2_7-.Ltmp4, $4  }
0xc7: {  	v7 =	vld [tilespmem:s16+$0x18FC0];
	v1 =	vmul.f32 $8.000000000e+00, v0  }
0xc8: {  	v5 =	vld [tilespmem:s16+$0x18FD0];
	v0 =	vmul.f32 $8.000000000e+00, v10  }
0xc9: {  	v10 =	vadd.f32 v11, v6;
	v6 =	vld [tilespmem:s16+$0x18FE0]  }
0xca: {  	s17 =	sshra.s32 s18, $0x2;
	s18 =	sadd.s32 $0x200, s18;
	v11 =	vadd.f32 v12, v9;
	v9 =	vld [tilespmem:s16+$0x18FF0]  }
0xcb: {  	v12 =	vld [tilespmem:s17+$0xC800];
	[tilespmem:s16+$0x12B90] =	vst v10;
	v4 =	vadd.f32 v8, v4  }
0xcc: {  	v10 =	vld [tilespmem:s17+$0xC790];
	[tilespmem:s16+$0x12BA0] =	vst v11;
	v3 =	vadd.f32 v7, v3  }
0xcd: {  	v8 =	vld [tilespmem:s17+$0x19000];
	[tilespmem:s16+$0x12BB0] =	vst v4;
	v2 =	vadd.f32 v5, v2  }
0xce: {  	v4 =	vld [tilespmem:s17+$0xC7A0];
	[tilespmem:s16+$0x12BC0] =	vst v3;
	v1 =	vadd.f32 v6, v1  }
0xcf: {  	v3 =	vld [tilespmem:s17+$0xC7B0];
	[tilespmem:s16+$0x12BD0] =	vst v2;
	v0 =	vadd.f32 v9, v0  }
0xd0: {  	v2 =	vld [tilespmem:s17+$0xC7C0];
	[tilespmem:s16+$0x12BE0] =	vst v1  }
0xd1: {  	v5 =	vmul.f32 $8.000000000e+00, v12;
	v1 =	vld [tilespmem:s17+$0xC7D0];
	[tilespmem:s16+$0x12BF0] =	vst v0  }
0xd2: {  	v0 =	vld [tilespmem:s17+$0xC7E0]  }
0xd3: {  	v5 =	vadd.f32 v8, v5;
	v7 =	vld [tilespmem:s17+$0x18F90]  }
0xd4: {  	v8 =	vld [tilespmem:s17+$0x18FB0]  }
0xd5: {  	[tilespmem:s17+$0x12C00] =	vst v5;
	v5 =	vld [tilespmem:s17+$0x18FA0]  }
0xd6: {  	v6 =	vld [tilespmem:s17+$0xC7F0]  }
0xd7: {  	v9 =	vmul.f32 $8.000000000e+00, v10;
	v10 =	vld [tilespmem:s17+$0x18FC0]  }
0xd8: {  	v11 =	vld [tilespmem:s17+$0x18FD0];
	v4 =	vmul.f32 $8.000000000e+00, v4;
	v3 =	vmul.f32 $8.000000000e+00, v3  }
0xd9: {  	v7 =	vadd.f32 v7, v9;
	v9 =	vld [tilespmem:s17+$0x18FE0]  }
0xda: {  	v2 =	vmul.f32 $8.000000000e+00, v2;
	v3 =	vadd.f32 v8, v3;
	v4 =	vadd.f32 v5, v4;
	v5 =	vld [tilespmem:s17+$0x18FF0]  }
0xdb: {  	v1 =	vmul.f32 $8.000000000e+00, v1;
	[tilespmem:s17+$0x12B90] =	vst v7  }
0xdc: {  	v0 =	vmul.f32 $8.000000000e+00, v0;
	v2 =	vadd.f32 v10, v2;
	[tilespmem:s17+$0x12BB0] =	vst v3  }
0xdd: {  	v1 =	vadd.f32 v11, v1;
	[tilespmem:s17+$0x12BA0] =	vst v4;
	v4 =	vmul.f32 $8.000000000e+00, v6  }
0xde: {  	s19 =	sadd.s32 s13, s9;
	[tilespmem:s17+$0x12BC0] =	vst v2;
	v0 =	vadd.f32 v9, v0  }
0xdf: {  	s16 =	sshll.u32 s19, $0x4;
	[tilespmem:s17+$0x12BD0] =	vst v1;
	v1 =	vadd.f32 v5, v4  }
0xe0: {  	s16 =	sand.u32 $0x1FFFFF00, s16;
	[tilespmem:s17+$0x12BE0] =	vst v0  }
0xe1: {  	s16 =	sadd.s32 s6, s16;
	[tilespmem:s17+$0x12BF0] =	vst v1  }
0xe2: {  	[hbm4b:s16+s22] =	stream.strided.scatter [tilespmem:s24], [sflag:$0x5], $0x3200, s23, s22, $0x38;
	[tilespmem:$0x1C200] =	vst v63  }
0xe3: {  	s15 =	sadd.s32 @!p0 $0x4B0, s15;
	s17 =	simm.s32 @!p0 $0xC800;
	s16 =	simm.s32 @!p0 $0xC8  }
0xe4: {  	[tilespmem:s17], [sflag:$0x3] =	stream.indirect.gather @!p0 [hbm4b:s4+s16], $0x40, s15, s16, $0xb8;
	[tilespmem:$0x1C200] =	vst v63  }
0xe5: {  	_ =	swait.ge [sflag:s30], $0x3200  }
0xe6: {  	[sflag:s30] =	ssyncset.done $0x0  }
0xe7: {  	[sflag:s30] =	ssyncadd.s32 $0xFFFFCE00  }
0xe8: {  	_ =	swait.ge [sflag:s31], $0x3200  }
0xe9: {  	[sflag:s31] =	ssyncset.done $0x0  }
0xea: {  	s15 =	simm.s32 $0x70;
	[sflag:s31] =	ssyncadd.s32 $0xFFFFCE00  }
0xeb: {  	v0 =	vld [tilespmem:s15+$0xFA00]  }
0xec: {  	v1 =	vld [tilespmem:s15+$0xF990]  }
0xed: {  	v2 =	vld [tilespmem:s15+$0x19000]  }
0xee: {  	v3 =	vld [tilespmem:s15+$0xF9A0]  }
0xef: {  	v4 =	vld [tilespmem:s15+$0xF9B0]  }
0xf0: {  	v5 =	vld [tilespmem:s15+$0xF9C0]  }
0xf1: {  	v6 =	vld [tilespmem:s15+$0xF9D0]  }
0xf2: {  	v9 =	vld [tilespmem:s15+$0xF9E0]  }
0xf3: {  	v10 =	vld [tilespmem:s15+$0xF9F0]  }
0xf4: {  	v11 =	vld [tilespmem:s15+$0x18F90]  }
0xf5: {  	v63 =	vld [tilespmem:s15+$0x18FA0];
	v0 =	vmul.f32 $8.000000000e+00, v0  }
0xf6: {  	v8 =	vld [tilespmem:s15+$0x18FB0]  }
0xf7: {  	v7 =	vld [tilespmem:s15+$0x18FC0];
	v13 =	vmul.f32 $8.000000000e+00, v1;
	v14 =	vmul.f32 $8.000000000e+00, v3;
	v0 =	vadd.f32 v2, v0  }
0xf8: {  	v4 =	vmul.f32 $8.000000000e+00, v4;
	v3 =	vmul.f32 $8.000000000e+00, v5;
	v5 =	vld [tilespmem:s15+$0x18FD0]  }
0xf9: {  	v2 =	vmul.f32 $8.000000000e+00, v6;
	v6 =	vld [tilespmem:s15+$0x18FE0];
	[tilespmem:s15+$0x15E00] =	vst v0;
	v0 =	vmul.f32 $8.000000000e+00, v10;
	v10 =	vadd.f32 v11, v13  }
0xfa: {  	s16 =	simm.s32 $0xF0;
	s17 =	simm.s32 $0x5C0;
	v1 =	vmul.f32 $8.000000000e+00, v9;
	v9 =	vld [tilespmem:s15+$0x18FF0];
	v11 =	vadd.f32 v63, v14  }
.LBB2_9:
0xfb: {  	p1 =	sne.s32 s17, $0xC7C0;
	v12 =	vld [tilespmem:s16+$0xFA00];
	[tilespmem:s15+$0x15D90] =	vst v10;
	v4 =	vadd.f32 v8, v4  }
0xfc: {  	v8 =	vld [tilespmem:s16+$0xF990];
	[tilespmem:s15+$0x15DA0] =	vst v11;
	v3 =	vadd.f32 v7, v3  }
0xfd: {  	v7 =	vld [tilespmem:s16+$0x19000];
	[tilespmem:s15+$0x15DB0] =	vst v4;
	v2 =	vadd.f32 v5, v2  }
0xfe: {  	v4 =	vld [tilespmem:s16+$0xF9A0];
	[tilespmem:s15+$0x15DC0] =	vst v3;
	v1 =	vadd.f32 v6, v1  }
0xff: {  	v3 =	vld [tilespmem:s16+$0xF9B0];
	[tilespmem:s15+$0x15DD0] =	vst v2;
	v0 =	vadd.f32 v9, v0  }
0x100: {  	v2 =	vld [tilespmem:s16+$0xF9C0];
	v5 =	vmul.f32 $8.000000000e+00, v12;
	[tilespmem:s15+$0x15DE0] =	vst v1  }
0x101: {  	v6 =	vmul.f32 $8.000000000e+00, v8;
	v1 =	vld [tilespmem:s16+$0xF9D0];
	[tilespmem:s15+$0x15DF0] =	vst v0;
	s15 =	smov.u32 s16  }
0x102: {  	v0 =	vld [tilespmem:s15+$0xF9E0];
	v5 =	vadd.f32 v7, v5  }
0x103: {  	v9 =	vmul.f32 $8.000000000e+00, v4;
	v10 =	vld [tilespmem:s15+$0xF9F0]  }
0x104: {  	v11 =	vld [tilespmem:s15+$0x18F90];
	v4 =	vmul.f32 $8.000000000e+00, v3;
	[tilespmem:s15+$0x15E00] =	vst v5  }
0x105: {  	v12 =	vld [tilespmem:s15+$0x18FA0];
	v3 =	vmul.f32 $8.000000000e+00, v2  }
.Ltmp5:
0x106: {  	v8 =	vld [tilespmem:s15+$0x18FB0];
	v2 =	vmul.f32 $8.000000000e+00, v1;
	(pc) =	sbr.rel @p1 .LBB2_9-.Ltmp5, $4  }
0x107: {  	v7 =	vld [tilespmem:s15+$0x18FC0];
	v1 =	vmul.f32 $8.000000000e+00, v0  }
0x108: {  	v5 =	vld [tilespmem:s15+$0x18FD0];
	v0 =	vmul.f32 $8.000000000e+00, v10  }
0x109: {  	v10 =	vadd.f32 v11, v6;
	v6 =	vld [tilespmem:s15+$0x18FE0]  }
0x10a: {  	s16 =	sshra.s32 s17, $0x2;
	s17 =	sadd.s32 $0x200, s17;
	v11 =	vadd.f32 v12, v9;
	v9 =	vld [tilespmem:s15+$0x18FF0]  }
0x10b: {  	v12 =	vld [tilespmem:s16+$0xFA00];
	[tilespmem:s15+$0x15D90] =	vst v10;
	v4 =	vadd.f32 v8, v4  }
0x10c: {  	v10 =	vld [tilespmem:s16+$0xF990];
	[tilespmem:s15+$0x15DA0] =	vst v11;
	v3 =	vadd.f32 v7, v3  }
0x10d: {  	v52 =	vld [tilespmem:s16+$0x19000];
	[tilespmem:s15+$0x15DB0] =	vst v4;
	v2 =	vadd.f32 v5, v2  }
0x10e: {  	v4 =	vld [tilespmem:s16+$0xF9A0];
	[tilespmem:s15+$0x15DC0] =	vst v3;
	v1 =	vadd.f32 v6, v1  }
0x10f: {  	v3 =	vld [tilespmem:s16+$0xF9B0];
	[tilespmem:s15+$0x15DD0] =	vst v2;
	v0 =	vadd.f32 v9, v0  }
0x110: {  	v2 =	vld [tilespmem:s16+$0xF9C0];
	[tilespmem:s15+$0x15DE0] =	vst v1  }
0x111: {  	v1 =	vld [tilespmem:s16+$0xF9D0];
	[tilespmem:s15+$0x15DF0] =	vst v0  }
0x112: {  	v0 =	vld [tilespmem:s16+$0xF9E0]  }
0x113: {  	v54 =	vld [tilespmem:s16+$0xF9F0]  }
0x114: {  	v55 =	vld [tilespmem:s16+$0x18F90]  }
0x115: {  	v56 =	vld [tilespmem:s16+$0x18FA0]  }
0x116: {  	v53 =	vmul.f32 $8.000000000e+00, v12;
	v57 =	vld [tilespmem:s16+$0x18FB0]  }
0x117: {  	v58 =	vmul.f32 $8.000000000e+00, v10;
	v59 =	vld [tilespmem:s16+$0x18FC0]  }
0x118: {  	v5 =	vadd.f32 v52, v53;
	v11 =	vld [tilespmem:s16+$0x18FD0];
	v4 =	vmul.f32 $8.000000000e+00, v4  }
0x119: {  	v60 =	vld [tilespmem:s16+$0x18FE0];
	v3 =	vmul.f32 $8.000000000e+00, v3;
	v7 =	vadd.f32 v55, v58  }
0x11a: {  	v61 =	vld [tilespmem:s16+$0x18FF0];
	[tilespmem:s16+$0x15E00] =	vst v5;
	v2 =	vmul.f32 $8.000000000e+00, v2;
	v4 =	vadd.f32 v56, v4  }
0x11b: {  	v1 =	vmul.f32 $8.000000000e+00, v1;
	v3 =	vadd.f32 v57, v3;
	[tilespmem:s16+$0x15D90] =	vst v7  }
0x11c: {  	v0 =	vmul.f32 $8.000000000e+00, v0;
	v2 =	vadd.f32 v59, v2;
	[tilespmem:s16+$0x15DA0] =	vst v4  }
0x11d: {  	v62 =	vmul.f32 $8.000000000e+00, v54;
	v1 =	vadd.f32 v11, v1;
	[tilespmem:s16+$0x15DB0] =	vst v3  }
.Ltmp6:
0x11e: {  	s13 =	sadd.s32 s13, s10;
	[tilespmem:s16+$0x15DC0] =	vst v2;
	v0 =	vadd.f32 v60, v0;
	(pc) =	sbr.rel @p0 .LBB2_12-.Ltmp6, $4  }
0x11f: {  	s13 =	sshll.u32 s13, $0x4;
	v63 =	vadd.f32 v61, v62;
	[tilespmem:s16+$0x15DD0] =	vst v1  }
0x120: {  	s13 =	sand.u32 $0x1FFFFF80, s13;
	[tilespmem:s16+$0x15DE0] =	vst v0  }
0x121: {  	s13 =	sadd.s32 s6, s13;
	[tilespmem:s16+$0x15DF0] =	vst v63  }
0x122: {  	[hbm4b:s13+s22] =	stream.strided.scatter [tilespmem:s26], [sflag:$0x6], $0x3200, s23, s22, $0x38;
	[tilespmem:$0x1C200] =	vst v63  }
0x123: {  	s13 =	smul.u32 $0xC80, s0  }
.Ltmp7:
0x124: {  	_ = 	snop;
	(pc) =	sbr.rel .LBB2_2-.Ltmp7, $4  }
0x125: {  	_ = 	snop  }
0x126: {  	s13 =	sshra.s32 s13, $0x2  }
0x127: {  	s0 =	sadd.s32 $0x1, s0;
	s13 =	sadd.s32 $0x578, s13  }
0x128: {  	[tilespmem:s20], [sflag:$0x4] =	stream.indirect.gather [hbm4b:s4+s14], $0x40, s13, s14, $0xb8;
	[tilespmem:$0x1C200] =	vst v63  }
.LBB2_13:
0x129: {  	_ =	sfence.sel $0x180000  }
0x12a: {  	[bflag:$0x0] =	sbarrier.arrive $0xFFFF  }
0x12b: {  	_ =	strace $0x90000047  }
0x12c: {  	s0 =	stileid.u32;
	[bflag:$0x2] =	sbarrier.arrive $0xFFFF  }
0x12d: {  	p0 =	sne.s32 s0, $0x0;
	s0 =	rddreg [dreg:$0x2]  }
0x12e: {  	s0 =	sadd.s32 @!p0 $0x100000, s0  }
0x12f: {  	[sflag:s0] =	ssyncadd.tile.s32 @!p0 $0x1;
	_ =	shalt  }
.Lfunc_end2:
_tile_overlayer_lowered:
.L_overlay_start_2:
0x130: {  	(tag) =	ssettag $0x2  }
0x131: {  	s0 =	rddreg [dreg:$0x0];
	s2 =	stileid.u32  }
0x132: {  	s1 =	rddreg [dreg:$0x1];
	p0 =	sne.s32 s2, $0x0  }
0x133: {  	s3 =	rddreg [dreg:$0x2];
	[bflag:$0x3] =	sbarrier.arrive $0xFFFF;
	s2 =	simm.s32 @!p0 $0x1C07  }
0x134: {  	[timem:s3], [sflag:s2] =	dma.local @!p0 [hbm:s0], s1  }
0x135: {  	s0 =	simm.s32 @!p0 $0x7  }
0x136: {  	_ =	swait.ge @!p0 [sflag:s0], s1  }
0x137: {  	s1 =	ssub.s32 @!p0 $0x0, s1;
	[sflag:s0] =	ssyncset.done @!p0 $0x0  }
0x138: {  	[sflag:s0] =	ssyncadd.s32 @!p0 s1  }
0x139: {  	[bflag:$0x3] =	sbarrier.arrive $0xFFFF  }
0x13a: {  	_ =	shalt  }

// kernel: sparse-core-data-format-call.cloned.1.call-start
scs
called_computation_lowered:
.L_overlay_start_0:
0x0: {  	s2 =	sld [smem:$0x3FD9]  }
0x1: {  	s3 =	sld [smem:$0x3FFE];
	_ =	sdelay $0x1  }
0x2: {  	s1 =	srdreg.scid  }
0x3: {  	s0 =	sand.u32 $0x1, s1  }
0x4: {  	s18 =	sshll.u32 s0, $0xA;
	s2 =	sadd.s32 s3, s2  }
0x5: {  	s2 =	sadd.s32 s2, s18  }
0x6: {  	[smem:$0x3FC5] =	sst s2  }
0x7: {  	_ = 	snop  }
0x8: {  	s2 =	sld [smem:$0x3FD0];
	(tm) =	ssettm $0x1  }
0x9: {  	s19 =	sld [smem:$0x3FFB];
	_ =	sdelay $0x3  }
0xa: {  	_ =	strace s19  }
0xb: {  	s3 =	sld [smem:$0x3FFC];
	_ =	sdelay $0x3  }
0xc: {  	_ =	strace s3  }
0xd: {  	s3 =	sld [smem:$0x3FFD];
	_ =	sdelay $0x3  }
0xe: {  	_ =	strace s3  }
0xf: {  	_ =	strace $0x8FFFFFFF  }
0x10: {  	s20 =	sld [smem:$0x3FDB];
	_ =	sdelay $0x1  }
0x11: {  	s4 =	simm.s32 $_scs_section_size  }
0x12: {  	s5 =	simm.s32 $_size__tile_overlayer_lowered;
	s6 =	simm.s32 $_tile_overlayer_lowered  }
0x13: {  	s23 =	simm.s32 $0x1BFF;
	s22 =	sshll.u32 s6, $0x1;
	s3 =	sadd.s32 s4, s20  }
0x14: {  	s7 =	simm.s32 $0x0;
	s21 =	sshll.u32 s5, $0x1;
	s5 =	sadd.s32 s22, s3  }
0x15: {  	[timem:s7], [sflag:s23] =	dma.local [hbm:s5], s21  }
0x16: {  	_ =	swait.ge [sflag:s23], s21  }
0x17: {  	s4 =	ssub.s32 $0x0, s21;
	[sflag:s23] =	ssyncset.done $0x0  }
0x18: {  	[sflag:s23] =	ssyncadd.s32 s4;
	_ =	sdelay $0x1  }
0x19: {  	s24 =	simm.s32 $0x1B8B  }
0x1a: {  	_ =	swait.ge [sflag:s24], $0x1  }
0x1b: {  	[sflag:s24] =	ssyncset.done $0x0  }
0x1c: {  	s26 =	simm.s32 $0x1B8E;
	s25 =	sld [smem:$0x3FFE];
	[sflag:s24] =	ssyncadd.s32 $0xFFFFFFFF  }
0x1d: {  	s27 =	simm.s32 $execute0_lowered;
	[smem:$0x3FD2] =	sst s26  }
0x1e: {  	s5 =	sshll.u32 s27, $0x1;
	_ =	strace $0x80000049;
	[dreg:$0x1] =	wrdreg $0xFFFFFFFF  }
0x1f: {  	s28 =	simm.s32 $_size_execute0_lowered;
	s3 =	sadd.s32 s3, s5;
	[dreg:$0x0] =	wrdreg $0x0  }
0x20: {  	s5 =	sshll.u32 s28, $0x1;
	[dreg:$0x2] =	wrdreg s3  }
0x21: {  	[dreg:$0x3] =	wrdreg s5  }
0x22: {  	[dreg:$0x4] =	wrdreg $0xC0  }
0x23: {  	_ =	task [dreg:s7], $0x5FFFF  }
0x24: {  	[dreg:$0x1] =	wrdreg $0xFFFFFFFF  }
0x25: {  	[dreg:$0x0] =	wrdreg $0x60  }
0x26: {  	[dreg:$0x2] =	wrdreg s25  }
0x27: {  	[dreg:$0x3] =	wrdreg s2  }
0x28: {  	[dreg:$0x4] =	wrdreg $0x9  }
0x29: {  	_ =	task.clear_ibuf [dreg:s7], $0x5FFFF;
	_ =	strace $0x90000049  }
0x2a: {  	s29 =	simm.s32 $0x9;
	_ =	strace $0x8000004B  }
0x2b: {  	_ =	swait.ge [sflag:s29], $0x1  }
0x2c: {  	[sflag:s29] =	ssyncadd.s32 $0xFFFFFFFF  }
0x2d: {  	_ =	strace $0x9000004B  }
0x2e: {  	_ =	sfence  }
0x2f: {  	s30 =	sld [smem:$0x0];
	_ =	sdelay $0x2  }
0x30: {  	s31 =	sshll.u32 s1, $0xD;
	s1 =	sshrl.u32 s1, $0x2  }
0x31: {  	s3 =	sand.u32 $0x4000, s31;
	s1 =	sadd.s32 s1, s30  }
0x32: {  	s0 =	sor.u32 s3, s0;
	s1 =	sshll.u32 s1, $0x11  }
0x33: {  	s0 =	sor.u32 s1, s0  }
0x34: {  	s0 =	sadd.s32 $0x8F2B, s0  }
0x35: {  	[sflag:s0] =	ssyncadd.remote.s32 $0x1  }
0x36: {  	_ =	sfence.sel $0xFFFF  }
0x37: {  	[dreg:$0x0] =	wrdreg $0xFFFFFFFF;
	(pc) =	sbr.abs _section_cstart, $3  }
0x38: {  	[dreg:$0x1] =	wrdreg $0xFFFFFFFF  }
0x39: {  	_ =	task.clear_ibuf [dreg:s7], $0x2FFFF;
	_ =	strace $0x9FFFFFFF  }
0x3a: {  	(tm) =	ssettm $0x7FFFFFFF  }
0x3b: {  	_ =	shalt  }
tec
execute0_lowered:
.L_overlay_start_1:
0x0: {  	(tag) =	ssettag $0x1  }
0x1: {  	s0 =	srdreg.scid  }
0x2: {  	s1 =	sshll.u32 s0, $0x4  }
0x3: {  	s0 =	stileid.u32;
	s1 =	sand.u32 $0x10, s1  }
0x4: {  	s1 =	sor.u32 s0, s1  }
0x5: {  	s6 =	rddreg [dreg:$0x0];
	s4 =	simm.s32 $0x1;
	s2 =	sshll.u32 s1, $0x7  }
0x6: {  	s7 =	simm.s32 $0x2;
	s12 =	simm.s32 $0x0;
	s1 =	ssub.s32 $0x1000, s2  }
0x7: {  	s8 =	simm.s32 $0x8000;
	s13 =	simm.s32 $0x0;
	s3 =	sand.u32 $0xF80, s1  }
0x8: {  	s9 =	simm.s32 $0x0;
	s5 =	sshrl.u32 s1, $0xC;
	p0 =	sne.s32 s3, $0x0  }
.Ltmp0:
0x9: {  	s1 =	rddreg [dreg:$0x2];
	s4 =	simm.s32 @!p0 $0x0;
	(pc) =	sbr.rel .LBB1_1-.Ltmp0, $4  }
0xa: {  	s11 =	simm.s32 $0x0;
	s3 =	rddreg [dreg:$0x1];
	s5 =	sadd.s32 s4, s5  }
0xb: {  	_ =	strace $0x8000004A;
	s4 =	simm.s32 $0x1;
	s5 =	smul.u32 $0xC8, s5  }
0xc: {  	s6 =	sadd.s32 $0x1400, s6;
	s10 =	smov.u32 s2;
	[sflag:s4] =	ssyncpa.u1 $0x0  }
0xd: {  	p0 =	por $0x0, $0x0;
	[sflag:s7] =	ssyncpa.u1 $0x0;
	s7 =	sor.u32 $0x1, s5  }
.LBB1_4:
0xe: {  	s16 =	sshll.u32 s13, $0x3;
	s17 =	sand.u32 $0x78, s13  }
0xf: {  	s30 =	sand.u32 $0x7E00, s13;
	s12 =	sshll.u32 s12, $0xF;
	s16 =	sand.u32 $0xC00, s16  }
0x10: {  	[tilespmem:s15+$0x810 ss:$0x81] =	vst.msk $0xffff, v2;
	s31 =	sand.u32 $0x7, s13;
	s16 =	sor.u32 s17, s16;
	s17 =	sadd.s32 s3, s30  }
0x11: {  	[tilespmem:s15+$0x1020 ss:$0x81] =	vst.msk $0xffff, v0;
	s13 =	sshll.u32 s31, $0x12;
	s12 =	sadd.s32 s12, s17;
	s16 =	sshrl.u32 s16, $0x3  }
0x12: {  	[tilespmem:s15+$0x0 ss:$0x81] =	vst.msk $0xffff, v1;
	s13 =	sor.u32 $0x400, s13;
	s12 =	sadd.s32 s16, s12  }
0x13: {  	[hbm4b:s12+s13] =	stream.strided.scatter [tilespmem:s14], [sflag:$0x2], $0x2000, s8, s13, $0x20;
	[tilespmem:$0x8080] =	vst v63  }
.LBB1_5:
0x14: {  	s14 =	sadd.s32 $0x1, s9  }
0x15: {  	s12 =	sadd.s32 $0x1000, s10;
	s16 =	smov.u32 s10;
	p2 =	sgt.s32 s14, $0xC7  }
0x16: {  	s16 =	smov.u32 @p2 s12  }
0x17: {  	s14 =	simm.s32 @p2 $0x0;
	p2 =	sgt.s32 s16, $0xFFF  }
0x18: {  	s16 =	smov.u32 @p2 s2;
	p2 =	sne.s32 s11, s7  }
.Ltmp1:
0x19: {  	p1 =	slt.u32 s11, $0x2;
	(pc) =	sbr.rel @!p2 .LBB1_6-.Ltmp1, $4  }
0x1a: {  	s15 =	simm.s32 @!p1 $0x2  }
0x1b: {  	s13 =	smov.u32 s10;
	p0 =	por !p0, !p0;
	_ =	swait.ge @!p1 [sflag:s15], $0x2000  }
0x1c: {  	s12 =	smov.u32 s9;
	[sflag:s15] =	ssyncset.done @!p1 $0x0;
	s9 =	smov.u32 s14  }
0x1d: {  	s11 =	sadd.s32 $0x1, s11;
	[sflag:s15] =	ssyncadd.s32 @!p1 $0xFFFFE000;
	s10 =	smov.u32 s16  }
.LBB1_1:
0x1e: {  	p1 =	sge.u32 s11, s5  }
0x1f: {  	s14 =	sand.u32 @!p1 $0x1FFFFFF, s9  }
0x20: {  	s15 =	smulhi.u32 @!p1 $0x147AE15, s14;
	_ =	sdelay $0x1  }
0x21: {  	s15 =	smul.u32 @!p1 $0xC8, s15  }
0x22: {  	s16 =	sxor.u32 @!p1 $0xFFFFFFFF, s11;
	s17 =	smul.u32 @!p1 $0xC80, s10  }
0x23: {  	s31 =	sadd.s32 $0xFFFFFFFF, s11;
	s16 =	sshll.u32 @!p1 s16, $0xD;
	s14 =	ssub.s32 @!p1 s14, s15  }
0x24: {  	s15 =	sand.u32 @!p1 $0x2000, s16;
	s16 =	sadd.s32 @!p1 s6, s17;
	s14 =	sshll.u32 @!p1 s14, $0x4  }
0x25: {  	s17 =	simm.s32 @!p1 $0x6400;
	s14 =	sadd.s32 @!p1 s14, s16;
	s16 =	simm.s32 @!p1 $0x40  }
0x26: {  	[tilespmem:s15], [sflag:$0x1] =	stream.strided.gather @!p1 [hbm4b:s14+s16], $0x2000, s17, s16, $0x38;
	[tilespmem:$0x8080] =	vst v63  }
0x27: {  	p1 =	sge.u32 s31, s5  }
.Ltmp2:
0x28: {  	_ = 	snop;
	(pc) =	sbr.rel @p1 .LBB1_5-.Ltmp2, $1  }
0x29: {  	_ =	sdelay $0x3  }
0x2a: {  	s14 =	simm.s32 $0x1  }
0x2b: {  	_ =	swait.ge [sflag:s4], $0x2000;
	s14 =	simm.s32 @!p0 $0x0  }
0x2c: {  	[sflag:s4] =	ssyncset.done $0x0;
	s15 =	sshll.u32 s14, $0xD  }
0x2d: {  	[sflag:s4] =	ssyncadd.s32 $0xFFFFE000;
	s18 =	sor.u32 $0x20, s15  }
0x2e: {  	s14 =	smul.u32 $0x8100, s14;
	v3 =	vld [tilespmem:s18+$0x10]  }
0x2f: {  	s30 =	sand.u32 $0x1, s11;
	v2 =	vld [tilespmem:s18+$0xFFFFFFF0]  }
0x30: {  	s15 =	smul.u32 $0x8100, s30;
	s14 =	sshrl.u32 s14, $0x2;
	v0 =	vld [tilespmem:s18+$0x0]  }
0x31: {  	v1 =	vld [tilespmem:s18+$0xFFFFFFE0];
	s16 =	sor.u32 $0x4000, s14  }
0x32: {  	s31 =	sshrl.u32 s15, $0x2;
	s15 =	sadd.s32 $0x0, s16  }
0x33: {  	s17 =	simm.s32 $0x4;
	s18 =	sadd.s32 $0x40, s18;
	s14 =	sor.u32 $0x4000, s31;
	[tilespmem:s15+$0x1830 ss:$0x81] =	vst.msk $0xffff, v3  }
.LBB1_3:
0x34: {  	v3 =	vld [tilespmem:s18+$0x10];
	p1 =	sne.s32 s17, $0x1FC;
	[tilespmem:s15+$0x810 ss:$0x81] =	vst.msk $0xffff, v2;
	s19 =	smov.u32 s17;
	s17 =	sadd.s32 $0x4, s17  }
.Ltmp3:
0x35: {  	v2 =	vld [tilespmem:s18+$0xFFFFFFF0];
	[tilespmem:s15+$0x1020 ss:$0x81] =	vst.msk $0xffff, v0;
	(pc) =	sbr.rel @p1 .LBB1_3-.Ltmp3, $4  }
0x36: {  	v0 =	vld [tilespmem:s18+$0x0];
	[tilespmem:s15+$0x0 ss:$0x81] =	vst.msk $0xffff, v1  }
0x37: {  	s15 =	sshra.s32 s19, $0x2;
	v1 =	vld [tilespmem:s18+$0xFFFFFFE0]  }
0x38: {  	s15 =	sadd.s32 s15, s16  }
0x39: {  	s18 =	sadd.s32 $0x40, s18;
	[tilespmem:s15+$0x1830 ss:$0x81] =	vst.msk $0xffff, v3  }
.Ltmp4:
0x3a: {  	_ = 	snop;
	(pc) =	sbr.rel .LBB1_4-.Ltmp4, $1  }
0x3b: {  	_ =	sdelay $0x3  }
.LBB1_6:
0x3c: {  	_ =	sfence.sel $0x180000  }
0x3d: {  	s2 =	simm.s32 $0x1;
	[bflag:$0x0] =	sbarrier.arrive $0xFFFF  }
0x3e: {  	s31 =	simm.s32 $0x2;
	[sflag:s2] =	ssyncpa.u1 $0x1  }
0x3f: {  	[sflag:s31] =	ssyncpa.u1 $0x1  }
0x40: {  	p0 =	sne.s32 s0, $0x0;
	_ =	strace $0x9000004A  }
0x41: {  	s0 =	sadd.s32 @!p0 $0x100000, s1;
	[bflag:$0x2] =	sbarrier.arrive $0xFFFF  }
0x42: {  	[sflag:s0] =	ssyncadd.tile.s32 @!p0 $0x1;
	_ =	shalt  }
.Lfunc_end1:
_tile_overlayer_lowered:
.L_overlay_start_2:
0x43: {  	(tag) =	ssettag $0x2  }
0x44: {  	s0 =	rddreg [dreg:$0x0];
	s2 =	stileid.u32  }
0x45: {  	s1 =	rddreg [dreg:$0x1];
	p0 =	sne.s32 s2, $0x0  }
0x46: {  	s3 =	rddreg [dreg:$0x2];
	[bflag:$0x3] =	sbarrier.arrive $0xFFFF;
	s2 =	simm.s32 @!p0 $0x1C01  }
0x47: {  	[timem:s3], [sflag:s2] =	dma.local @!p0 [hbm:s0], s1  }
0x48: {  	s0 =	simm.s32 @!p0 $0x1  }
0x49: {  	_ =	swait.ge @!p0 [sflag:s0], s1  }
0x4a: {  	s1 =	ssub.s32 @!p0 $0x0, s1;
	[sflag:s0] =	ssyncset.done @!p0 $0x0  }
0x4b: {  	[sflag:s0] =	ssyncadd.s32 @!p0 s1  }
0x4c: {  	[bflag:$0x3] =	sbarrier.arrive $0xFFFF  }
0x4d: {  	_ =	shalt  }

</sc_bundles>
